<compile_context>
chip_gen: v7x
topology: tpu7x:2x2x1
jax: 0.10.2.dev20260603
libtpu: 0.0.44.dev20260713+nightly
codegen_flags: <defaults>
</compile_context>

<pallas_src>
import jax
import jax.numpy as jnp
from jax import lax
from jax.experimental import pallas as pl
from jax.experimental.pallas import tpu as pltpu
from jax.experimental.pallas import tpu_sc as plsc

_BATCH = 4096
_E = 200
_D = 64
_NC = 2
_NS = 16
_NW = _NC * _NS
_BPW = _BATCH // _NW
_G = 4
_GL = _G * _E
_NGRP = _BPW // _G
_CHUNKS = ((0, 128), (128, 72))


def _body(x_hbm, tab_hbm, vec_hbm, val_hbm,
          idxraw, safe, vbuf, buf, semg0, semg1, semo0, semo1, semv0, semv1):
    wid = lax.axis_index("s") * _NC + lax.axis_index("c")
    b0 = wid * _BPW
    semg = (semg0, semg1)
    semo = (semo0, semo1)
    semv = (semv0, semv1)

    def prep(g, p, first):
        bb = b0 + g * _G
        if not first:
            pltpu.make_async_copy(vbuf.at[p], val_hbm.at[pl.ds(0, _GL)],
                                  semv[p]).wait()
        pltpu.sync_copy(x_hbm.at[pl.ds(bb * _E, _GL)], idxraw.at[p])

        def cvec(j, c):
            o = pl.multiple_of(j * 16, 16)
            v = idxraw[p, pl.ds(o, 16)]
            valid = v != -1
            safe[p, pl.ds(o, 16)] = jnp.where(valid, v, 0)
            vbuf[p, pl.ds(o, 16)] = jnp.where(valid, 1.0, 0.0)
            return c

        lax.fori_loop(0, _GL // 16, cvec, 0)
        if not first:
            pltpu.make_async_copy(buf.at[p], vec_hbm.at[pl.ds(0, _GL)],
                                  semo[p]).wait()
        for k in range(_G):
            for (lo, ln) in _CHUNKS:
                pltpu.make_async_copy(
                    tab_hbm.at[safe.at[p, pl.ds(k * _E + lo, ln)]],
                    buf.at[p, pl.ds(k * _E + lo, ln)], semg[p]).start()

    def outcopy(g, p):
        bb = b0 + g * _G
        pltpu.make_async_copy(tab_hbm.at[pl.ds(0, _GL)], buf.at[p],
                              semg[p]).wait()
        pltpu.make_async_copy(
            buf.at[p], vec_hbm.at[pl.ds(bb * _E, _GL)], semo[p]).start()
        pltpu.make_async_copy(
            vbuf.at[p], val_hbm.at[pl.ds(bb * _E, _GL)], semv[p]).start()

    prep(0, 0, True)

    def iteration(g, first):
        prep(g + 1, 1, first)
        outcopy(g, 0)

        @pl.when(g + 2 < _NGRP)
        def _():
            prep(g + 2, 0, False)

        outcopy(g + 1, 1)

    iteration(0, True)

    def outer(u, c):
        iteration(u * 2, False)
        return c

    lax.fori_loop(1, _NGRP // 2, outer, 0)

    for p in (0, 1):
        pltpu.make_async_copy(buf.at[p], vec_hbm.at[pl.ds(0, _GL)],
                              semo[p]).wait()
        pltpu.make_async_copy(vbuf.at[p], val_hbm.at[pl.ds(0, _GL)],
                              semv[p]).wait()


def kernel(x, entity_vectors):
    mesh = plsc.VectorSubcoreMesh(core_axis_name="c", subcore_axis_name="s")
    run = pl.kernel(
        _body,
        out_type=(
            jax.ShapeDtypeStruct((_BATCH * _E, _D), jnp.float32),
            jax.ShapeDtypeStruct((_BATCH * _E,), jnp.float32),
        ),
        mesh=mesh,
        compiler_params=pltpu.CompilerParams(use_tc_tiling_on_sc=False),
        scratch_types=[
            pltpu.VMEM((2, _GL), jnp.int32),
            pltpu.VMEM((2, _GL), jnp.int32),
            pltpu.VMEM((2, _GL), jnp.float32),
            pltpu.VMEM((2, _GL, _D), jnp.float32),
            pltpu.SemaphoreType.DMA,
            pltpu.SemaphoreType.DMA,
            pltpu.SemaphoreType.DMA,
            pltpu.SemaphoreType.DMA,
            pltpu.SemaphoreType.DMA,
            pltpu.SemaphoreType.DMA,
        ],
    )
    vecs, valid = run(x.reshape(-1), entity_vectors)
    vec4 = vecs.reshape(_BATCH, 1, _E, _D)
    mask4 = jnp.broadcast_to(valid.reshape(_BATCH, 1, _E, 1), vec4.shape)
    return jnp.concatenate([vec4, mask4], axis=1)

# --- scband reference (transcript-rebuilt; emitter-appended) ---
"""Pipeline reference for scband-entity-index-to-vector-mapper-27934467293526 (READ-ONLY COPY).

The authoritative reference and input builder live on the scoring server;
editing this copy changes nothing except your own understanding.
"""

import jax, jax.numpy as jnp
import numpy as np

VOCAB = 1000000
DIM = 64
BATCH = 4096
ENTITY_COUNT = 200


def setup_inputs(seed: int = 0) -> dict:
    key = jax.random.key(seed)
    k_x, k_tab = jax.random.split(key)
    x = jax.random.randint(k_x, (BATCH, ENTITY_COUNT), 0, VOCAB, dtype=jnp.int64 if jax.config.jax_enable_x64 else jnp.int32).astype(jnp.int32)
    entity_vectors = jax.random.normal(k_tab, (VOCAB, DIM), dtype=jnp.float32)
    return {"x": x, "entity_vectors": entity_vectors}


def reference(x, entity_vectors):
    batch_size, entity_count = x.shape
    vector_dim = entity_vectors.shape[-1]
    mask = x != -1
    flattened_indices = x.reshape(-1)
    flattened_indices = jnp.where(flattened_indices == -1, 0, flattened_indices)
    flattened_vecs = jnp.take(entity_vectors, flattened_indices, axis=0)
    vecs = flattened_vecs.reshape((batch_size, entity_count, vector_dim))
    maskf = jnp.broadcast_to(mask[:, :, None], vecs.shape).astype(jnp.float32)
    return jnp.stack((vecs, maskf), axis=1)

if __name__ == "__main__":
    import jax
    _d = setup_inputs()
    print(jax.jit(kernel)(*tuple(_d.values())))

</pallas_src>

<mosaic_0001>
#map = affine_map<(d0, d1) -> (0)>
#map1 = affine_map<(d0, d1) -> (0, 0)>
module attributes {stable_mosaic.version = 14 : i64} {
  func.func @_body(%arg0: i32, %arg1: i32, %arg2: memref<819200xi32, #tpu.memory_space<hbm>>, %arg3: memref<1000000x64xf32, #tpu.memory_space<hbm>>, %arg4: memref<819200x64xf32, #tpu.memory_space<hbm>>, %arg5: memref<819200xf32, #tpu.memory_space<hbm>>, %arg6: memref<2x800xi32, #tpu.memory_space<vmem>>, %arg7: memref<2x800xi32, #tpu.memory_space<vmem>>, %arg8: memref<2x800xf32, #tpu.memory_space<vmem>>, %arg9: memref<2x800x64xf32, #tpu.memory_space<vmem>>, %arg10: memref<!tpu.dma_semaphore, #tpu.memory_space<semaphore_mem>>, %arg11: memref<!tpu.dma_semaphore, #tpu.memory_space<semaphore_mem>>, %arg12: memref<!tpu.dma_semaphore, #tpu.memory_space<semaphore_mem>>, %arg13: memref<!tpu.dma_semaphore, #tpu.memory_space<semaphore_mem>>, %arg14: memref<!tpu.dma_semaphore, #tpu.memory_space<semaphore_mem>>, %arg15: memref<!tpu.dma_semaphore, #tpu.memory_space<semaphore_mem>>) attributes {dimension_semantics = [#tpu.dimension_semantics<core_parallel>, #tpu.dimension_semantics<subcore_parallel>], iteration_bounds = array<i64: 2, 16>, scalar_prefetch = 0 : i64, scratch_operands = 10 : i64, tpu.core_type = #tpu.core_type<sc_vector_subcore>, window_params = [{transform_indices = #map}, {transform_indices = #map1}, {transform_indices = #map1}, {transform_indices = #map}]} {
    %mul3A = arith.constant 2 : i32
    %mul3A_0 = arith.muli %arg1, %mul3A : i32
    %add3A = arith.addi %mul3A_0, %arg0 : i32
    %mul3A_1 = arith.constant 128 : i32
    %mul3A_2 = arith.muli %add3A, %mul3A_1 : i32
    %add3A_3 = arith.constant 0 : i32
    %add3A_4 = arith.addi %mul3A_2, %add3A_3 : i32
    %mul3A_5 = arith.constant 200 : i32
    %mul3A_6 = arith.muli %add3A_4, %mul3A_5 : i32
    %run_scoped3A = arith.constant 0 : i32
    "tpu.region"() ({
      %run_scoped3A_490 = tpu.sem_alloc : memref<!tpu.dma_semaphore, #tpu.memory_space<semaphore_mem>>
      %dma_start3A_491 = arith.constant 0 : i32
      %dma_start3A_492 = tpu.memref_slice %arg6[%run_scoped3A, %dma_start3A_491] : memref<2x800xi32, #tpu.memory_space<vmem>> -> memref<1x800xi32, #tpu.memory_space<vmem>>
      %dma_start3A_493 = tpu.memref_squeeze %dma_start3A_492 : memref<1x800xi32, #tpu.memory_space<vmem>> -> memref<800xi32, #tpu.memory_space<vmem>>
      %dma_start3A_494 = tpu.memref_slice %arg2[%mul3A_6] : memref<819200xi32, #tpu.memory_space<hbm>> -> memref<800xi32, #tpu.memory_space<hbm>>
      %dma_start3A_495 = arith.constant 0 : i32
      %dma_start3A_496 = tpu.memref_slice %arg6[%run_scoped3A, %dma_start3A_495] : memref<2x800xi32, #tpu.memory_space<vmem>> -> memref<1x800xi32, #tpu.memory_space<vmem>>
      %dma_start3A_497 = tpu.memref_squeeze %dma_start3A_496 : memref<1x800xi32, #tpu.memory_space<vmem>> -> memref<800xi32, #tpu.memory_space<vmem>>
      %dma_start3A_498 = tpu.memref_slice %arg2[%mul3A_6] : memref<819200xi32, #tpu.memory_space<hbm>> -> memref<800xi32, #tpu.memory_space<hbm>>
      tpu.enqueue_dma source(%dma_start3A_498 : memref<800xi32, #tpu.memory_space<hbm>>) target(%dma_start3A_497 : memref<800xi32, #tpu.memory_space<vmem>>) target_semaphore(%run_scoped3A_490 : memref<!tpu.dma_semaphore, #tpu.memory_space<semaphore_mem>>)
      %dma_wait3A_499 = arith.constant 0 : i32
      %dma_wait3A_500 = tpu.memref_slice %arg6[%run_scoped3A, %dma_wait3A_499] : memref<2x800xi32, #tpu.memory_space<vmem>> -> memref<1x800xi32, #tpu.memory_space<vmem>>
      %dma_wait3A_501 = tpu.memref_squeeze %dma_wait3A_500 : memref<1x800xi32, #tpu.memory_space<vmem>> -> memref<800xi32, #tpu.memory_space<vmem>>
      %dma_wait3A_502 = tpu.memref_slice %arg2[%mul3A_6] : memref<819200xi32, #tpu.memory_space<hbm>> -> memref<800xi32, #tpu.memory_space<hbm>>
      %dma_wait3A_503 = arith.constant 0 : i32
      %dma_wait3A_504 = tpu.memref_slice %arg6[%run_scoped3A, %dma_wait3A_503] : memref<2x800xi32, #tpu.memory_space<vmem>> -> memref<1x800xi32, #tpu.memory_space<vmem>>
      %dma_wait3A_505 = tpu.memref_squeeze %dma_wait3A_504 : memref<1x800xi32, #tpu.memory_space<vmem>> -> memref<800xi32, #tpu.memory_space<vmem>>
      %dma_wait3A_506 = tpu.memref_slice %arg2[%mul3A_6] : memref<819200xi32, #tpu.memory_space<hbm>> -> memref<800xi32, #tpu.memory_space<hbm>>
      tpu.wait_dma2 semaphore(%run_scoped3A_490 : memref<!tpu.dma_semaphore, #tpu.memory_space<semaphore_mem>>) src(%dma_wait3A_506 : memref<800xi32, #tpu.memory_space<hbm>>) dst(%dma_wait3A_505 : memref<800xi32, #tpu.memory_space<vmem>>)
      tpu.yield
    }) : () -> ()
    %scan3A = arith.constant 0 : i32
    %scan3A_7 = arith.constant 0 : i32
    %scan3A_8 = arith.constant 50 : i32
    %scan3A_9 = arith.addi %scan3A_7, %scan3A_8 : i32
    %scan3A_10 = arith.constant 1 : i32
    scf.for %scan3A_490 = %scan3A_7 to %scan3A_9 step %scan3A_10  : i32 {
      %mul3A_491 = arith.constant 16 : i32
      %mul3A_492 = arith.muli %scan3A_490, %mul3A_491 : i32
      %multiple_of3A = tpu.assume_multiple %mul3A_492, 16 : i32
      %get3A = arith.constant 0 : i32
      %get3A_493 = arith.index_cast %get3A : i32 to index
      %get3A_494 = arith.index_cast %multiple_of3A : i32 to index
      %get3A_495 = tpu.vector_load %arg6[%get3A_493, %get3A_494] {strides = array<i32>} : memref<2x800xi32, #tpu.memory_space<vmem>>, vector<1x16xi32>,
      %get3A_496 = vector.shape_cast %get3A_495 : vector<1x16xi32> to vector<16xi32>
      %ne3A = arith.constant -1 : i32
      %ne3A_497 = vector.broadcast %ne3A : i32 to vector<16xi32>
      %ne3A_498 = arith.cmpi ne, %get3A_496, %ne3A_497 : vector<16xi32>
      %jit3A = arith.constant 0 : i32
      %broadcast_in_dim3A = vector.broadcast %jit3A : i32 to vector<16xi32>
      %select_n3A = arith.select %ne3A_498, %get3A_496, %broadcast_in_dim3A : vector<16xi1>, vector<16xi32>
      %swap3A = arith.constant 0 : i32
      %swap3A_499 = arith.index_cast %swap3A : i32 to index
      %swap3A_500 = arith.index_cast %multiple_of3A : i32 to index
      %swap3A_501 = tpu.vector_load %arg7[%swap3A_499, %swap3A_500] {strides = array<i32>} : memref<2x800xi32, #tpu.memory_space<vmem>>, vector<1x16xi32>,
      %swap3A_502 = vector.shape_cast %swap3A_501 : vector<1x16xi32> to vector<16xi32>
      %swap3A_503 = vector.shape_cast %select_n3A : vector<16xi32> to vector<1x16xi32>
      tpu.vector_store %arg7[%swap3A_499, %swap3A_500], %swap3A_503 {strides = array<i32>} : memref<2x800xi32, #tpu.memory_space<vmem>>, vector<1x16xi32>,
      %jit3A_504 = arith.constant 1.000000e+00 : f32
      %jit3A_505 = arith.constant 0.000000e+00 : f32
      %broadcast_in_dim3A_506 = vector.broadcast %jit3A_504 : f32 to vector<16xf32>
      %broadcast_in_dim3A_507 = vector.broadcast %jit3A_505 : f32 to vector<16xf32>
      %select_n3A_508 = arith.select %ne3A_498, %broadcast_in_dim3A_506, %broadcast_in_dim3A_507 : vector<16xi1>, vector<16xf32>
      %swap3A_509 = arith.constant 0 : i32
      %swap3A_510 = arith.index_cast %swap3A_509 : i32 to index
      %swap3A_511 = arith.index_cast %multiple_of3A : i32 to index
      %swap3A_512 = tpu.vector_load %arg8[%swap3A_510, %swap3A_511] {strides = array<i32>} : memref<2x800xf32, #tpu.memory_space<vmem>>, vector<1x16xf32>,
      %swap3A_513 = vector.shape_cast %swap3A_512 : vector<1x16xf32> to vector<16xf32>
      %swap3A_514 = vector.shape_cast %select_n3A_508 : vector<16xf32> to vector<1x16xf32>
      tpu.vector_store %arg8[%swap3A_510, %swap3A_511], %swap3A_514 {strides = array<i32>} : memref<2x800xf32, #tpu.memory_space<vmem>>, vector<1x16xf32>,
    }
    %scan3A_11 = arith.constant 50 : i32
    %dma_start3A = arith.constant 0 : i32
    %dma_start3A_12 = arith.constant 0 : i32
    %dma_start3A_13 = arith.constant 0 : i32
    %dma_start3A_14 = arith.constant 0 : i32
    %dma_start3A_15 = tpu.memref_slice %arg9[%dma_start3A_12, %dma_start3A_13, %dma_start3A_14] : memref<2x800x64xf32, #tpu.memory_space<vmem>> -> memref<1x128x64xf32, #tpu.memory_space<vmem>>
    %dma_start3A_16 = tpu.memref_squeeze %dma_start3A_15 : memref<1x128x64xf32, #tpu.memory_space<vmem>> -> memref<128x64xf32, #tpu.memory_space<vmem>>
    %dma_start3A_17 = arith.constant 0 : i32
    %dma_start3A_18 = tpu.memref_slice %arg7[%dma_start3A, %dma_start3A_17] : memref<2x800xi32, #tpu.memory_space<vmem>> -> memref<1x128xi32, #tpu.memory_space<vmem>>
    %dma_start3A_19 = tpu.memref_squeeze %dma_start3A_18 : memref<1x128xi32, #tpu.memory_space<vmem>> -> memref<128xi32, #tpu.memory_space<vmem>>
    %dma_start3A_20 = arith.constant 0 : i32
    %dma_start3A_21 = arith.constant 0 : i32
    %dma_start3A_22 = tpu.memref_slice %arg3[%dma_start3A_20, %dma_start3A_21] : memref<1000000x64xf32, #tpu.memory_space<hbm>> -> memref<1000000x64xf32, #tpu.memory_space<hbm>>
    tpu.enqueue_indirect_dma source(%dma_start3A_22 : memref<1000000x64xf32, #tpu.memory_space<hbm>>) target(%dma_start3A_16 : memref<128x64xf32, #tpu.memory_space<vmem>>) offsets(%dma_start3A_19 : memref<128xi32, #tpu.memory_space<vmem>>) semaphore(%arg10 : memref<!tpu.dma_semaphore, #tpu.memory_space<semaphore_mem>>)
    %dma_start3A_23 = arith.constant 0 : i32
    %dma_start3A_24 = arith.constant 0 : i32
    %dma_start3A_25 = arith.constant 128 : i32
    %dma_start3A_26 = arith.constant 0 : i32
    %dma_start3A_27 = tpu.memref_slice %arg9[%dma_start3A_24, %dma_start3A_25, %dma_start3A_26] : memref<2x800x64xf32, #tpu.memory_space<vmem>> -> memref<1x72x64xf32, #tpu.memory_space<vmem>>
    %dma_start3A_28 = tpu.memref_squeeze %dma_start3A_27 : memref<1x72x64xf32, #tpu.memory_space<vmem>> -> memref<72x64xf32, #tpu.memory_space<vmem>>
    %dma_start3A_29 = arith.constant 128 : i32
    %dma_start3A_30 = tpu.memref_slice %arg7[%dma_start3A_23, %dma_start3A_29] : memref<2x800xi32, #tpu.memory_space<vmem>> -> memref<1x72xi32, #tpu.memory_space<vmem>>
    %dma_start3A_31 = tpu.memref_squeeze %dma_start3A_30 : memref<1x72xi32, #tpu.memory_space<vmem>> -> memref<72xi32, #tpu.memory_space<vmem>>
    %dma_start3A_32 = arith.constant 0 : i32
    %dma_start3A_33 = arith.constant 0 : i32
    %dma_start3A_34 = tpu.memref_slice %arg3[%dma_start3A_32, %dma_start3A_33] : memref<1000000x64xf32, #tpu.memory_space<hbm>> -> memref<1000000x64xf32, #tpu.memory_space<hbm>>
    tpu.enqueue_indirect_dma source(%dma_start3A_34 : memref<1000000x64xf32, #tpu.memory_space<hbm>>) target(%dma_start3A_28 : memref<72x64xf32, #tpu.memory_space<vmem>>) offsets(%dma_start3A_31 : memref<72xi32, #tpu.memory_space<vmem>>) semaphore(%arg10 : memref<!tpu.dma_semaphore, #tpu.memory_space<semaphore_mem>>)
    %dma_start3A_35 = arith.constant 0 : i32
    %dma_start3A_36 = arith.constant 0 : i32
    %dma_start3A_37 = arith.constant 200 : i32
    %dma_start3A_38 = arith.constant 0 : i32
    %dma_start3A_39 = tpu.memref_slice %arg9[%dma_start3A_36, %dma_start3A_37, %dma_start3A_38] : memref<2x800x64xf32, #tpu.memory_space<vmem>> -> memref<1x128x64xf32, #tpu.memory_space<vmem>>
    %dma_start3A_40 = tpu.memref_squeeze %dma_start3A_39 : memref<1x128x64xf32, #tpu.memory_space<vmem>> -> memref<128x64xf32, #tpu.memory_space<vmem>>
    %dma_start3A_41 = arith.constant 200 : i32
    %dma_start3A_42 = tpu.memref_slice %arg7[%dma_start3A_35, %dma_start3A_41] : memref<2x800xi32, #tpu.memory_space<vmem>> -> memref<1x128xi32, #tpu.memory_space<vmem>>
    %dma_start3A_43 = tpu.memref_squeeze %dma_start3A_42 : memref<1x128xi32, #tpu.memory_space<vmem>> -> memref<128xi32, #tpu.memory_space<vmem>>
    %dma_start3A_44 = arith.constant 0 : i32
    %dma_start3A_45 = arith.constant 0 : i32
    %dma_start3A_46 = tpu.memref_slice %arg3[%dma_start3A_44, %dma_start3A_45] : memref<1000000x64xf32, #tpu.memory_space<hbm>> -> memref<1000000x64xf32, #tpu.memory_space<hbm>>
    tpu.enqueue_indirect_dma source(%dma_start3A_46 : memref<1000000x64xf32, #tpu.memory_space<hbm>>) target(%dma_start3A_40 : memref<128x64xf32, #tpu.memory_space<vmem>>) offsets(%dma_start3A_43 : memref<128xi32, #tpu.memory_space<vmem>>) semaphore(%arg10 : memref<!tpu.dma_semaphore, #tpu.memory_space<semaphore_mem>>)
    %dma_start3A_47 = arith.constant 0 : i32
    %dma_start3A_48 = arith.constant 0 : i32
    %dma_start3A_49 = arith.constant 328 : i32
    %dma_start3A_50 = arith.constant 0 : i32
    %dma_start3A_51 = tpu.memref_slice %arg9[%dma_start3A_48, %dma_start3A_49, %dma_start3A_50] : memref<2x800x64xf32, #tpu.memory_space<vmem>> -> memref<1x72x64xf32, #tpu.memory_space<vmem>>
    %dma_start3A_52 = tpu.memref_squeeze %dma_start3A_51 : memref<1x72x64xf32, #tpu.memory_space<vmem>> -> memref<72x64xf32, #tpu.memory_space<vmem>>
    %dma_start3A_53 = arith.constant 328 : i32
    %dma_start3A_54 = tpu.memref_slice %arg7[%dma_start3A_47, %dma_start3A_53] : memref<2x800xi32, #tpu.memory_space<vmem>> -> memref<1x72xi32, #tpu.memory_space<vmem>>
    %dma_start3A_55 = tpu.memref_squeeze %dma_start3A_54 : memref<1x72xi32, #tpu.memory_space<vmem>> -> memref<72xi32, #tpu.memory_space<vmem>>
    %dma_start3A_56 = arith.constant 0 : i32
    %dma_start3A_57 = arith.constant 0 : i32
    %dma_start3A_58 = tpu.memref_slice %arg3[%dma_start3A_56, %dma_start3A_57] : memref<1000000x64xf32, #tpu.memory_space<hbm>> -> memref<1000000x64xf32, #tpu.memory_space<hbm>>
    tpu.enqueue_indirect_dma source(%dma_start3A_58 : memref<1000000x64xf32, #tpu.memory_space<hbm>>) target(%dma_start3A_52 : memref<72x64xf32, #tpu.memory_space<vmem>>) offsets(%dma_start3A_55 : memref<72xi32, #tpu.memory_space<vmem>>) semaphore(%arg10 : memref<!tpu.dma_semaphore, #tpu.memory_space<semaphore_mem>>)
    %dma_start3A_59 = arith.constant 0 : i32
    %dma_start3A_60 = arith.constant 0 : i32
    %dma_start3A_61 = arith.constant 400 : i32
    %dma_start3A_62 = arith.constant 0 : i32
    %dma_start3A_63 = tpu.memref_slice %arg9[%dma_start3A_60, %dma_start3A_61, %dma_start3A_62] : memref<2x800x64xf32, #tpu.memory_space<vmem>> -> memref<1x128x64xf32, #tpu.memory_space<vmem>>
    %dma_start3A_64 = tpu.memref_squeeze %dma_start3A_63 : memref<1x128x64xf32, #tpu.memory_space<vmem>> -> memref<128x64xf32, #tpu.memory_space<vmem>>
    %dma_start3A_65 = arith.constant 400 : i32
    %dma_start3A_66 = tpu.memref_slice %arg7[%dma_start3A_59, %dma_start3A_65] : memref<2x800xi32, #tpu.memory_space<vmem>> -> memref<1x128xi32, #tpu.memory_space<vmem>>
    %dma_start3A_67 = tpu.memref_squeeze %dma_start3A_66 : memref<1x128xi32, #tpu.memory_space<vmem>> -> memref<128xi32, #tpu.memory_space<vmem>>
    %dma_start3A_68 = arith.constant 0 : i32
    %dma_start3A_69 = arith.constant 0 : i32
    %dma_start3A_70 = tpu.memref_slice %arg3[%dma_start3A_68, %dma_start3A_69] : memref<1000000x64xf32, #tpu.memory_space<hbm>> -> memref<1000000x64xf32, #tpu.memory_space<hbm>>
    tpu.enqueue_indirect_dma source(%dma_start3A_70 : memref<1000000x64xf32, #tpu.memory_space<hbm>>) target(%dma_start3A_64 : memref<128x64xf32, #tpu.memory_space<vmem>>) offsets(%dma_start3A_67 : memref<128xi32, #tpu.memory_space<vmem>>) semaphore(%arg10 : memref<!tpu.dma_semaphore, #tpu.memory_space<semaphore_mem>>)
    %dma_start3A_71 = arith.constant 0 : i32
    %dma_start3A_72 = arith.constant 0 : i32
    %dma_start3A_73 = arith.constant 528 : i32
    %dma_start3A_74 = arith.constant 0 : i32
    %dma_start3A_75 = tpu.memref_slice %arg9[%dma_start3A_72, %dma_start3A_73, %dma_start3A_74] : memref<2x800x64xf32, #tpu.memory_space<vmem>> -> memref<1x72x64xf32, #tpu.memory_space<vmem>>
    %dma_start3A_76 = tpu.memref_squeeze %dma_start3A_75 : memref<1x72x64xf32, #tpu.memory_space<vmem>> -> memref<72x64xf32, #tpu.memory_space<vmem>>
    %dma_start3A_77 = arith.constant 528 : i32
    %dma_start3A_78 = tpu.memref_slice %arg7[%dma_start3A_71, %dma_start3A_77] : memref<2x800xi32, #tpu.memory_space<vmem>> -> memref<1x72xi32, #tpu.memory_space<vmem>>
    %dma_start3A_79 = tpu.memref_squeeze %dma_start3A_78 : memref<1x72xi32, #tpu.memory_space<vmem>> -> memref<72xi32, #tpu.memory_space<vmem>>
    %dma_start3A_80 = arith.constant 0 : i32
    %dma_start3A_81 = arith.constant 0 : i32
    %dma_start3A_82 = tpu.memref_slice %arg3[%dma_start3A_80, %dma_start3A_81] : memref<1000000x64xf32, #tpu.memory_space<hbm>> -> memref<1000000x64xf32, #tpu.memory_space<hbm>>
    tpu.enqueue_indirect_dma source(%dma_start3A_82 : memref<1000000x64xf32, #tpu.memory_space<hbm>>) target(%dma_start3A_76 : memref<72x64xf32, #tpu.memory_space<vmem>>) offsets(%dma_start3A_79 : memref<72xi32, #tpu.memory_space<vmem>>) semaphore(%arg10 : memref<!tpu.dma_semaphore, #tpu.memory_space<semaphore_mem>>)
    %dma_start3A_83 = arith.constant 0 : i32
    %dma_start3A_84 = arith.constant 0 : i32
    %dma_start3A_85 = arith.constant 600 : i32
    %dma_start3A_86 = arith.constant 0 : i32
    %dma_start3A_87 = tpu.memref_slice %arg9[%dma_start3A_84, %dma_start3A_85, %dma_start3A_86] : memref<2x800x64xf32, #tpu.memory_space<vmem>> -> memref<1x128x64xf32, #tpu.memory_space<vmem>>
    %dma_start3A_88 = tpu.memref_squeeze %dma_start3A_87 : memref<1x128x64xf32, #tpu.memory_space<vmem>> -> memref<128x64xf32, #tpu.memory_space<vmem>>
    %dma_start3A_89 = arith.constant 600 : i32
    %dma_start3A_90 = tpu.memref_slice %arg7[%dma_start3A_83, %dma_start3A_89] : memref<2x800xi32, #tpu.memory_space<vmem>> -> memref<1x128xi32, #tpu.memory_space<vmem>>
    %dma_start3A_91 = tpu.memref_squeeze %dma_start3A_90 : memref<1x128xi32, #tpu.memory_space<vmem>> -> memref<128xi32, #tpu.memory_space<vmem>>
    %dma_start3A_92 = arith.constant 0 : i32
    %dma_start3A_93 = arith.constant 0 : i32
    %dma_start3A_94 = tpu.memref_slice %arg3[%dma_start3A_92, %dma_start3A_93] : memref<1000000x64xf32, #tpu.memory_space<hbm>> -> memref<1000000x64xf32, #tpu.memory_space<hbm>>
    tpu.enqueue_indirect_dma source(%dma_start3A_94 : memref<1000000x64xf32, #tpu.memory_space<hbm>>) target(%dma_start3A_88 : memref<128x64xf32, #tpu.memory_space<vmem>>) offsets(%dma_start3A_91 : memref<128xi32, #tpu.memory_space<vmem>>) semaphore(%arg10 : memref<!tpu.dma_semaphore, #tpu.memory_space<semaphore_mem>>)
    %dma_start3A_95 = arith.constant 0 : i32
    %dma_start3A_96 = arith.constant 0 : i32
    %dma_start3A_97 = arith.constant 728 : i32
    %dma_start3A_98 = arith.constant 0 : i32
    %dma_start3A_99 = tpu.memref_slice %arg9[%dma_start3A_96, %dma_start3A_97, %dma_start3A_98] : memref<2x800x64xf32, #tpu.memory_space<vmem>> -> memref<1x72x64xf32, #tpu.memory_space<vmem>>
    %dma_start3A_100 = tpu.memref_squeeze %dma_start3A_99 : memref<1x72x64xf32, #tpu.memory_space<vmem>> -> memref<72x64xf32, #tpu.memory_space<vmem>>
    %dma_start3A_101 = arith.constant 728 : i32
    %dma_start3A_102 = tpu.memref_slice %arg7[%dma_start3A_95, %dma_start3A_101] : memref<2x800xi32, #tpu.memory_space<vmem>> -> memref<1x72xi32, #tpu.memory_space<vmem>>
    %dma_start3A_103 = tpu.memref_squeeze %dma_start3A_102 : memref<1x72xi32, #tpu.memory_space<vmem>> -> memref<72xi32, #tpu.memory_space<vmem>>
    %dma_start3A_104 = arith.constant 0 : i32
    %dma_start3A_105 = arith.constant 0 : i32
    %dma_start3A_106 = tpu.memref_slice %arg3[%dma_start3A_104, %dma_start3A_105] : memref<1000000x64xf32, #tpu.memory_space<hbm>> -> memref<1000000x64xf32, #tpu.memory_space<hbm>>
    tpu.enqueue_indirect_dma source(%dma_start3A_106 : memref<1000000x64xf32, #tpu.memory_space<hbm>>) target(%dma_start3A_100 : memref<72x64xf32, #tpu.memory_space<vmem>>) offsets(%dma_start3A_103 : memref<72xi32, #tpu.memory_space<vmem>>) semaphore(%arg10 : memref<!tpu.dma_semaphore, #tpu.memory_space<semaphore_mem>>)
    %add3A_107 = arith.constant 4 : i32
    %add3A_108 = arith.addi %mul3A_2, %add3A_107 : i32
    %mul3A_109 = arith.constant 200 : i32
    %mul3A_110 = arith.muli %add3A_108, %mul3A_109 : i32
    %run_scoped3A_111 = arith.constant 1 : i32
    "tpu.region"() ({
      %run_scoped3A_490 = tpu.sem_alloc : memref<!tpu.dma_semaphore, #tpu.memory_space<semaphore_mem>>
      %dma_start3A_491 = arith.constant 0 : i32
      %dma_start3A_492 = tpu.memref_slice %arg6[%run_scoped3A_111, %dma_start3A_491] : memref<2x800xi32, #tpu.memory_space<vmem>> -> memref<1x800xi32, #tpu.memory_space<vmem>>
      %dma_start3A_493 = tpu.memref_squeeze %dma_start3A_492 : memref<1x800xi32, #tpu.memory_space<vmem>> -> memref<800xi32, #tpu.memory_space<vmem>>
      %dma_start3A_494 = tpu.memref_slice %arg2[%mul3A_110] : memref<819200xi32, #tpu.memory_space<hbm>> -> memref<800xi32, #tpu.memory_space<hbm>>
      %dma_start3A_495 = arith.constant 0 : i32
      %dma_start3A_496 = tpu.memref_slice %arg6[%run_scoped3A_111, %dma_start3A_495] : memref<2x800xi32, #tpu.memory_space<vmem>> -> memref<1x800xi32, #tpu.memory_space<vmem>>
      %dma_start3A_497 = tpu.memref_squeeze %dma_start3A_496 : memref<1x800xi32, #tpu.memory_space<vmem>> -> memref<800xi32, #tpu.memory_space<vmem>>
      %dma_start3A_498 = tpu.memref_slice %arg2[%mul3A_110] : memref<819200xi32, #tpu.memory_space<hbm>> -> memref<800xi32, #tpu.memory_space<hbm>>
      tpu.enqueue_dma source(%dma_start3A_498 : memref<800xi32, #tpu.memory_space<hbm>>) target(%dma_start3A_497 : memref<800xi32, #tpu.memory_space<vmem>>) target_semaphore(%run_scoped3A_490 : memref<!tpu.dma_semaphore, #tpu.memory_space<semaphore_mem>>)
      %dma_wait3A_499 = arith.constant 0 : i32
      %dma_wait3A_500 = tpu.memref_slice %arg6[%run_scoped3A_111, %dma_wait3A_499] : memref<2x800xi32, #tpu.memory_space<vmem>> -> memref<1x800xi32, #tpu.memory_space<vmem>>
      %dma_wait3A_501 = tpu.memref_squeeze %dma_wait3A_500 : memref<1x800xi32, #tpu.memory_space<vmem>> -> memref<800xi32, #tpu.memory_space<vmem>>
      %dma_wait3A_502 = tpu.memref_slice %arg2[%mul3A_110] : memref<819200xi32, #tpu.memory_space<hbm>> -> memref<800xi32, #tpu.memory_space<hbm>>
      %dma_wait3A_503 = arith.constant 0 : i32
      %dma_wait3A_504 = tpu.memref_slice %arg6[%run_scoped3A_111, %dma_wait3A_503] : memref<2x800xi32, #tpu.memory_space<vmem>> -> memref<1x800xi32, #tpu.memory_space<vmem>>
      %dma_wait3A_505 = tpu.memref_squeeze %dma_wait3A_504 : memref<1x800xi32, #tpu.memory_space<vmem>> -> memref<800xi32, #tpu.memory_space<vmem>>
      %dma_wait3A_506 = tpu.memref_slice %arg2[%mul3A_110] : memref<819200xi32, #tpu.memory_space<hbm>> -> memref<800xi32, #tpu.memory_space<hbm>>
      tpu.wait_dma2 semaphore(%run_scoped3A_490 : memref<!tpu.dma_semaphore, #tpu.memory_space<semaphore_mem>>) src(%dma_wait3A_506 : memref<800xi32, #tpu.memory_space<hbm>>) dst(%dma_wait3A_505 : memref<800xi32, #tpu.memory_space<vmem>>)
      tpu.yield
    }) : () -> ()
    %scan3A_112 = arith.constant 0 : i32
    %scan3A_113 = arith.constant 0 : i32
    %scan3A_114 = arith.constant 50 : i32
    %scan3A_115 = arith.addi %scan3A_113, %scan3A_114 : i32
    %scan3A_116 = arith.constant 1 : i32
    scf.for %scan3A_490 = %scan3A_113 to %scan3A_115 step %scan3A_116  : i32 {
      %mul3A_491 = arith.constant 16 : i32
      %mul3A_492 = arith.muli %scan3A_490, %mul3A_491 : i32
      %multiple_of3A = tpu.assume_multiple %mul3A_492, 16 : i32
      %get3A = arith.constant 1 : i32
      %get3A_493 = arith.index_cast %get3A : i32 to index
      %get3A_494 = arith.index_cast %multiple_of3A : i32 to index
      %get3A_495 = tpu.vector_load %arg6[%get3A_493, %get3A_494] {strides = array<i32>} : memref<2x800xi32, #tpu.memory_space<vmem>>, vector<1x16xi32>,
      %get3A_496 = vector.shape_cast %get3A_495 : vector<1x16xi32> to vector<16xi32>
      %ne3A = arith.constant -1 : i32
      %ne3A_497 = vector.broadcast %ne3A : i32 to vector<16xi32>
      %ne3A_498 = arith.cmpi ne, %get3A_496, %ne3A_497 : vector<16xi32>
      %jit3A = arith.constant 0 : i32
      %broadcast_in_dim3A = vector.broadcast %jit3A : i32 to vector<16xi32>
      %select_n3A = arith.select %ne3A_498, %get3A_496, %broadcast_in_dim3A : vector<16xi1>, vector<16xi32>
      %swap3A = arith.constant 1 : i32
      %swap3A_499 = arith.index_cast %swap3A : i32 to index
      %swap3A_500 = arith.index_cast %multiple_of3A : i32 to index
      %swap3A_501 = tpu.vector_load %arg7[%swap3A_499, %swap3A_500] {strides = array<i32>} : memref<2x800xi32, #tpu.memory_space<vmem>>, vector<1x16xi32>,
      %swap3A_502 = vector.shape_cast %swap3A_501 : vector<1x16xi32> to vector<16xi32>
      %swap3A_503 = vector.shape_cast %select_n3A : vector<16xi32> to vector<1x16xi32>
      tpu.vector_store %arg7[%swap3A_499, %swap3A_500], %swap3A_503 {strides = array<i32>} : memref<2x800xi32, #tpu.memory_space<vmem>>, vector<1x16xi32>,
      %jit3A_504 = arith.constant 1.000000e+00 : f32
      %jit3A_505 = arith.constant 0.000000e+00 : f32
      %broadcast_in_dim3A_506 = vector.broadcast %jit3A_504 : f32 to vector<16xf32>
      %broadcast_in_dim3A_507 = vector.broadcast %jit3A_505 : f32 to vector<16xf32>
      %select_n3A_508 = arith.select %ne3A_498, %broadcast_in_dim3A_506, %broadcast_in_dim3A_507 : vector<16xi1>, vector<16xf32>
      %swap3A_509 = arith.constant 1 : i32
      %swap3A_510 = arith.index_cast %swap3A_509 : i32 to index
      %swap3A_511 = arith.index_cast %multiple_of3A : i32 to index
      %swap3A_512 = tpu.vector_load %arg8[%swap3A_510, %swap3A_511] {strides = array<i32>} : memref<2x800xf32, #tpu.memory_space<vmem>>, vector<1x16xf32>,
      %swap3A_513 = vector.shape_cast %swap3A_512 : vector<1x16xf32> to vector<16xf32>
      %swap3A_514 = vector.shape_cast %select_n3A_508 : vector<16xf32> to vector<1x16xf32>
      tpu.vector_store %arg8[%swap3A_510, %swap3A_511], %swap3A_514 {strides = array<i32>} : memref<2x800xf32, #tpu.memory_space<vmem>>, vector<1x16xf32>,
    }
    %scan3A_117 = arith.constant 50 : i32
    %dma_start3A_118 = arith.constant 1 : i32
    %dma_start3A_119 = arith.constant 1 : i32
    %dma_start3A_120 = arith.constant 0 : i32
    %dma_start3A_121 = arith.constant 0 : i32
    %dma_start3A_122 = tpu.memref_slice %arg9[%dma_start3A_119, %dma_start3A_120, %dma_start3A_121] : memref<2x800x64xf32, #tpu.memory_space<vmem>> -> memref<1x128x64xf32, #tpu.memory_space<vmem>>
    %dma_start3A_123 = tpu.memref_squeeze %dma_start3A_122 : memref<1x128x64xf32, #tpu.memory_space<vmem>> -> memref<128x64xf32, #tpu.memory_space<vmem>>
    %dma_start3A_124 = arith.constant 0 : i32
    %dma_start3A_125 = tpu.memref_slice %arg7[%dma_start3A_118, %dma_start3A_124] : memref<2x800xi32, #tpu.memory_space<vmem>> -> memref<1x128xi32, #tpu.memory_space<vmem>>
    %dma_start3A_126 = tpu.memref_squeeze %dma_start3A_125 : memref<1x128xi32, #tpu.memory_space<vmem>> -> memref<128xi32, #tpu.memory_space<vmem>>
    %dma_start3A_127 = arith.constant 0 : i32
    %dma_start3A_128 = arith.constant 0 : i32
    %dma_start3A_129 = tpu.memref_slice %arg3[%dma_start3A_127, %dma_start3A_128] : memref<1000000x64xf32, #tpu.memory_space<hbm>> -> memref<1000000x64xf32, #tpu.memory_space<hbm>>
    tpu.enqueue_indirect_dma source(%dma_start3A_129 : memref<1000000x64xf32, #tpu.memory_space<hbm>>) target(%dma_start3A_123 : memref<128x64xf32, #tpu.memory_space<vmem>>) offsets(%dma_start3A_126 : memref<128xi32, #tpu.memory_space<vmem>>) semaphore(%arg11 : memref<!tpu.dma_semaphore, #tpu.memory_space<semaphore_mem>>)
    %dma_start3A_130 = arith.constant 1 : i32
    %dma_start3A_131 = arith.constant 1 : i32
    %dma_start3A_132 = arith.constant 128 : i32
    %dma_start3A_133 = arith.constant 0 : i32
    %dma_start3A_134 = tpu.memref_slice %arg9[%dma_start3A_131, %dma_start3A_132, %dma_start3A_133] : memref<2x800x64xf32, #tpu.memory_space<vmem>> -> memref<1x72x64xf32, #tpu.memory_space<vmem>>
    %dma_start3A_135 = tpu.memref_squeeze %dma_start3A_134 : memref<1x72x64xf32, #tpu.memory_space<vmem>> -> memref<72x64xf32, #tpu.memory_space<vmem>>
    %dma_start3A_136 = arith.constant 128 : i32
    %dma_start3A_137 = tpu.memref_slice %arg7[%dma_start3A_130, %dma_start3A_136] : memref<2x800xi32, #tpu.memory_space<vmem>> -> memref<1x72xi32, #tpu.memory_space<vmem>>
    %dma_start3A_138 = tpu.memref_squeeze %dma_start3A_137 : memref<1x72xi32, #tpu.memory_space<vmem>> -> memref<72xi32, #tpu.memory_space<vmem>>
    %dma_start3A_139 = arith.constant 0 : i32
    %dma_start3A_140 = arith.constant 0 : i32
    %dma_start3A_141 = tpu.memref_slice %arg3[%dma_start3A_139, %dma_start3A_140] : memref<1000000x64xf32, #tpu.memory_space<hbm>> -> memref<1000000x64xf32, #tpu.memory_space<hbm>>
    tpu.enqueue_indirect_dma source(%dma_start3A_141 : memref<1000000x64xf32, #tpu.memory_space<hbm>>) target(%dma_start3A_135 : memref<72x64xf32, #tpu.memory_space<vmem>>) offsets(%dma_start3A_138 : memref<72xi32, #tpu.memory_space<vmem>>) semaphore(%arg11 : memref<!tpu.dma_semaphore, #tpu.memory_space<semaphore_mem>>)
    %dma_start3A_142 = arith.constant 1 : i32
    %dma_start3A_143 = arith.constant 1 : i32
    %dma_start3A_144 = arith.constant 200 : i32
    %dma_start3A_145 = arith.constant 0 : i32
    %dma_start3A_146 = tpu.memref_slice %arg9[%dma_start3A_143, %dma_start3A_144, %dma_start3A_145] : memref<2x800x64xf32, #tpu.memory_space<vmem>> -> memref<1x128x64xf32, #tpu.memory_space<vmem>>
    %dma_start3A_147 = tpu.memref_squeeze %dma_start3A_146 : memref<1x128x64xf32, #tpu.memory_space<vmem>> -> memref<128x64xf32, #tpu.memory_space<vmem>>
    %dma_start3A_148 = arith.constant 200 : i32
    %dma_start3A_149 = tpu.memref_slice %arg7[%dma_start3A_142, %dma_start3A_148] : memref<2x800xi32, #tpu.memory_space<vmem>> -> memref<1x128xi32, #tpu.memory_space<vmem>>
    %dma_start3A_150 = tpu.memref_squeeze %dma_start3A_149 : memref<1x128xi32, #tpu.memory_space<vmem>> -> memref<128xi32, #tpu.memory_space<vmem>>
    %dma_start3A_151 = arith.constant 0 : i32
    %dma_start3A_152 = arith.constant 0 : i32
    %dma_start3A_153 = tpu.memref_slice %arg3[%dma_start3A_151, %dma_start3A_152] : memref<1000000x64xf32, #tpu.memory_space<hbm>> -> memref<1000000x64xf32, #tpu.memory_space<hbm>>
    tpu.enqueue_indirect_dma source(%dma_start3A_153 : memref<1000000x64xf32, #tpu.memory_space<hbm>>) target(%dma_start3A_147 : memref<128x64xf32, #tpu.memory_space<vmem>>) offsets(%dma_start3A_150 : memref<128xi32, #tpu.memory_space<vmem>>) semaphore(%arg11 : memref<!tpu.dma_semaphore, #tpu.memory_space<semaphore_mem>>)
    %dma_start3A_154 = arith.constant 1 : i32
    %dma_start3A_155 = arith.constant 1 : i32
    %dma_start3A_156 = arith.constant 328 : i32
    %dma_start3A_157 = arith.constant 0 : i32
    %dma_start3A_158 = tpu.memref_slice %arg9[%dma_start3A_155, %dma_start3A_156, %dma_start3A_157] : memref<2x800x64xf32, #tpu.memory_space<vmem>> -> memref<1x72x64xf32, #tpu.memory_space<vmem>>
    %dma_start3A_159 = tpu.memref_squeeze %dma_start3A_158 : memref<1x72x64xf32, #tpu.memory_space<vmem>> -> memref<72x64xf32, #tpu.memory_space<vmem>>
    %dma_start3A_160 = arith.constant 328 : i32
    %dma_start3A_161 = tpu.memref_slice %arg7[%dma_start3A_154, %dma_start3A_160] : memref<2x800xi32, #tpu.memory_space<vmem>> -> memref<1x72xi32, #tpu.memory_space<vmem>>
    %dma_start3A_162 = tpu.memref_squeeze %dma_start3A_161 : memref<1x72xi32, #tpu.memory_space<vmem>> -> memref<72xi32, #tpu.memory_space<vmem>>
    %dma_start3A_163 = arith.constant 0 : i32
    %dma_start3A_164 = arith.constant 0 : i32
    %dma_start3A_165 = tpu.memref_slice %arg3[%dma_start3A_163, %dma_start3A_164] : memref<1000000x64xf32, #tpu.memory_space<hbm>> -> memref<1000000x64xf32, #tpu.memory_space<hbm>>
    tpu.enqueue_indirect_dma source(%dma_start3A_165 : memref<1000000x64xf32, #tpu.memory_space<hbm>>) target(%dma_start3A_159 : memref<72x64xf32, #tpu.memory_space<vmem>>) offsets(%dma_start3A_162 : memref<72xi32, #tpu.memory_space<vmem>>) semaphore(%arg11 : memref<!tpu.dma_semaphore, #tpu.memory_space<semaphore_mem>>)
    %dma_start3A_166 = arith.constant 1 : i32
    %dma_start3A_167 = arith.constant 1 : i32
    %dma_start3A_168 = arith.constant 400 : i32
    %dma_start3A_169 = arith.constant 0 : i32
    %dma_start3A_170 = tpu.memref_slice %arg9[%dma_start3A_167, %dma_start3A_168, %dma_start3A_169] : memref<2x800x64xf32, #tpu.memory_space<vmem>> -> memref<1x128x64xf32, #tpu.memory_space<vmem>>
    %dma_start3A_171 = tpu.memref_squeeze %dma_start3A_170 : memref<1x128x64xf32, #tpu.memory_space<vmem>> -> memref<128x64xf32, #tpu.memory_space<vmem>>
    %dma_start3A_172 = arith.constant 400 : i32
    %dma_start3A_173 = tpu.memref_slice %arg7[%dma_start3A_166, %dma_start3A_172] : memref<2x800xi32, #tpu.memory_space<vmem>> -> memref<1x128xi32, #tpu.memory_space<vmem>>
    %dma_start3A_174 = tpu.memref_squeeze %dma_start3A_173 : memref<1x128xi32, #tpu.memory_space<vmem>> -> memref<128xi32, #tpu.memory_space<vmem>>
    %dma_start3A_175 = arith.constant 0 : i32
    %dma_start3A_176 = arith.constant 0 : i32
    %dma_start3A_177 = tpu.memref_slice %arg3[%dma_start3A_175, %dma_start3A_176] : memref<1000000x64xf32, #tpu.memory_space<hbm>> -> memref<1000000x64xf32, #tpu.memory_space<hbm>>
    tpu.enqueue_indirect_dma source(%dma_start3A_177 : memref<1000000x64xf32, #tpu.memory_space<hbm>>) target(%dma_start3A_171 : memref<128x64xf32, #tpu.memory_space<vmem>>) offsets(%dma_start3A_174 : memref<128xi32, #tpu.memory_space<vmem>>) semaphore(%arg11 : memref<!tpu.dma_semaphore, #tpu.memory_space<semaphore_mem>>)
    %dma_start3A_178 = arith.constant 1 : i32
    %dma_start3A_179 = arith.constant 1 : i32
    %dma_start3A_180 = arith.constant 528 : i32
    %dma_start3A_181 = arith.constant 0 : i32
    %dma_start3A_182 = tpu.memref_slice %arg9[%dma_start3A_179, %dma_start3A_180, %dma_start3A_181] : memref<2x800x64xf32, #tpu.memory_space<vmem>> -> memref<1x72x64xf32, #tpu.memory_space<vmem>>
    %dma_start3A_183 = tpu.memref_squeeze %dma_start3A_182 : memref<1x72x64xf32, #tpu.memory_space<vmem>> -> memref<72x64xf32, #tpu.memory_space<vmem>>
    %dma_start3A_184 = arith.constant 528 : i32
    %dma_start3A_185 = tpu.memref_slice %arg7[%dma_start3A_178, %dma_start3A_184] : memref<2x800xi32, #tpu.memory_space<vmem>> -> memref<1x72xi32, #tpu.memory_space<vmem>>
    %dma_start3A_186 = tpu.memref_squeeze %dma_start3A_185 : memref<1x72xi32, #tpu.memory_space<vmem>> -> memref<72xi32, #tpu.memory_space<vmem>>
    %dma_start3A_187 = arith.constant 0 : i32
    %dma_start3A_188 = arith.constant 0 : i32
    %dma_start3A_189 = tpu.memref_slice %arg3[%dma_start3A_187, %dma_start3A_188] : memref<1000000x64xf32, #tpu.memory_space<hbm>> -> memref<1000000x64xf32, #tpu.memory_space<hbm>>
    tpu.enqueue_indirect_dma source(%dma_start3A_189 : memref<1000000x64xf32, #tpu.memory_space<hbm>>) target(%dma_start3A_183 : memref<72x64xf32, #tpu.memory_space<vmem>>) offsets(%dma_start3A_186 : memref<72xi32, #tpu.memory_space<vmem>>) semaphore(%arg11 : memref<!tpu.dma_semaphore, #tpu.memory_space<semaphore_mem>>)
    %dma_start3A_190 = arith.constant 1 : i32
    %dma_start3A_191 = arith.constant 1 : i32
    %dma_start3A_192 = arith.constant 600 : i32
    %dma_start3A_193 = arith.constant 0 : i32
    %dma_start3A_194 = tpu.memref_slice %arg9[%dma_start3A_191, %dma_start3A_192, %dma_start3A_193] : memref<2x800x64xf32, #tpu.memory_space<vmem>> -> memref<1x128x64xf32, #tpu.memory_space<vmem>>
    %dma_start3A_195 = tpu.memref_squeeze %dma_start3A_194 : memref<1x128x64xf32, #tpu.memory_space<vmem>> -> memref<128x64xf32, #tpu.memory_space<vmem>>
    %dma_start3A_196 = arith.constant 600 : i32
    %dma_start3A_197 = tpu.memref_slice %arg7[%dma_start3A_190, %dma_start3A_196] : memref<2x800xi32, #tpu.memory_space<vmem>> -> memref<1x128xi32, #tpu.memory_space<vmem>>
    %dma_start3A_198 = tpu.memref_squeeze %dma_start3A_197 : memref<1x128xi32, #tpu.memory_space<vmem>> -> memref<128xi32, #tpu.memory_space<vmem>>
    %dma_start3A_199 = arith.constant 0 : i32
    %dma_start3A_200 = arith.constant 0 : i32
    %dma_start3A_201 = tpu.memref_slice %arg3[%dma_start3A_199, %dma_start3A_200] : memref<1000000x64xf32, #tpu.memory_space<hbm>> -> memref<1000000x64xf32, #tpu.memory_space<hbm>>
    tpu.enqueue_indirect_dma source(%dma_start3A_201 : memref<1000000x64xf32, #tpu.memory_space<hbm>>) target(%dma_start3A_195 : memref<128x64xf32, #tpu.memory_space<vmem>>) offsets(%dma_start3A_198 : memref<128xi32, #tpu.memory_space<vmem>>) semaphore(%arg11 : memref<!tpu.dma_semaphore, #tpu.memory_space<semaphore_mem>>)
    %dma_start3A_202 = arith.constant 1 : i32
    %dma_start3A_203 = arith.constant 1 : i32
    %dma_start3A_204 = arith.constant 728 : i32
    %dma_start3A_205 = arith.constant 0 : i32
    %dma_start3A_206 = tpu.memref_slice %arg9[%dma_start3A_203, %dma_start3A_204, %dma_start3A_205] : memref<2x800x64xf32, #tpu.memory_space<vmem>> -> memref<1x72x64xf32, #tpu.memory_space<vmem>>
    %dma_start3A_207 = tpu.memref_squeeze %dma_start3A_206 : memref<1x72x64xf32, #tpu.memory_space<vmem>> -> memref<72x64xf32, #tpu.memory_space<vmem>>
    %dma_start3A_208 = arith.constant 728 : i32
    %dma_start3A_209 = tpu.memref_slice %arg7[%dma_start3A_202, %dma_start3A_208] : memref<2x800xi32, #tpu.memory_space<vmem>> -> memref<1x72xi32, #tpu.memory_space<vmem>>
    %dma_start3A_210 = tpu.memref_squeeze %dma_start3A_209 : memref<1x72xi32, #tpu.memory_space<vmem>> -> memref<72xi32, #tpu.memory_space<vmem>>
    %dma_start3A_211 = arith.constant 0 : i32
    %dma_start3A_212 = arith.constant 0 : i32
    %dma_start3A_213 = tpu.memref_slice %arg3[%dma_start3A_211, %dma_start3A_212] : memref<1000000x64xf32, #tpu.memory_space<hbm>> -> memref<1000000x64xf32, #tpu.memory_space<hbm>>
    tpu.enqueue_indirect_dma source(%dma_start3A_213 : memref<1000000x64xf32, #tpu.memory_space<hbm>>) target(%dma_start3A_207 : memref<72x64xf32, #tpu.memory_space<vmem>>) offsets(%dma_start3A_210 : memref<72xi32, #tpu.memory_space<vmem>>) semaphore(%arg11 : memref<!tpu.dma_semaphore, #tpu.memory_space<semaphore_mem>>)
    %add3A_214 = arith.constant 0 : i32
    %add3A_215 = arith.addi %mul3A_2, %add3A_214 : i32
    %dma_wait3A = arith.constant 0 : i32
    %dma_wait3A_216 = arith.constant 0 : i32
    %dma_wait3A_217 = arith.constant 0 : i32
    %dma_wait3A_218 = tpu.memref_slice %arg9[%dma_wait3A, %dma_wait3A_216, %dma_wait3A_217] : memref<2x800x64xf32, #tpu.memory_space<vmem>> -> memref<1x800x64xf32, #tpu.memory_space<vmem>>
    %dma_wait3A_219 = tpu.memref_squeeze %dma_wait3A_218 : memref<1x800x64xf32, #tpu.memory_space<vmem>> -> memref<800x64xf32, #tpu.memory_space<vmem>>
    %dma_wait3A_220 = arith.constant 0 : i32
    %dma_wait3A_221 = arith.constant 0 : i32
    %dma_wait3A_222 = tpu.memref_slice %arg3[%dma_wait3A_220, %dma_wait3A_221] : memref<1000000x64xf32, #tpu.memory_space<hbm>> -> memref<800x64xf32, #tpu.memory_space<hbm>>
    %dma_wait3A_223 = arith.constant 0 : i32
    %dma_wait3A_224 = arith.constant 0 : i32
    %dma_wait3A_225 = tpu.memref_slice %arg9[%dma_wait3A, %dma_wait3A_223, %dma_wait3A_224] : memref<2x800x64xf32, #tpu.memory_space<vmem>> -> memref<1x800x64xf32, #tpu.memory_space<vmem>>
    %dma_wait3A_226 = tpu.memref_squeeze %dma_wait3A_225 : memref<1x800x64xf32, #tpu.memory_space<vmem>> -> memref<800x64xf32, #tpu.memory_space<vmem>>
    %dma_wait3A_227 = arith.constant 0 : i32
    %dma_wait3A_228 = arith.constant 0 : i32
    %dma_wait3A_229 = tpu.memref_slice %arg3[%dma_wait3A_227, %dma_wait3A_228] : memref<1000000x64xf32, #tpu.memory_space<hbm>> -> memref<800x64xf32, #tpu.memory_space<hbm>>
    tpu.wait_dma2 semaphore(%arg10 : memref<!tpu.dma_semaphore, #tpu.memory_space<semaphore_mem>>) src(%dma_wait3A_229 : memref<800x64xf32, #tpu.memory_space<hbm>>) dst(%dma_wait3A_226 : memref<800x64xf32, #tpu.memory_space<vmem>>)
    %mul3A_230 = arith.constant 200 : i32
    %mul3A_231 = arith.muli %add3A_215, %mul3A_230 : i32
    %dma_start3A_232 = arith.constant 0 : i32
    %dma_start3A_233 = arith.constant 0 : i32
    %dma_start3A_234 = arith.constant 0 : i32
    %dma_start3A_235 = tpu.memref_slice %arg9[%dma_start3A_232, %dma_start3A_233, %dma_start3A_234] : memref<2x800x64xf32, #tpu.memory_space<vmem>> -> memref<1x800x64xf32, #tpu.memory_space<vmem>>
    %dma_start3A_236 = tpu.memref_squeeze %dma_start3A_235 : memref<1x800x64xf32, #tpu.memory_space<vmem>> -> memref<800x64xf32, #tpu.memory_space<vmem>>
    %dma_start3A_237 = arith.constant 0 : i32
    %dma_start3A_238 = tpu.memref_slice %arg4[%mul3A_231, %dma_start3A_237] : memref<819200x64xf32, #tpu.memory_space<hbm>> -> memref<800x64xf32, #tpu.memory_space<hbm>>
    %dma_start3A_239 = arith.constant 0 : i32
    %dma_start3A_240 = tpu.memref_slice %arg4[%mul3A_231, %dma_start3A_239] : memref<819200x64xf32, #tpu.memory_space<hbm>> -> memref<800x64xf32, #tpu.memory_space<hbm>>
    %dma_start3A_241 = arith.constant 0 : i32
    %dma_start3A_242 = arith.constant 0 : i32
    %dma_start3A_243 = tpu.memref_slice %arg9[%dma_start3A_232, %dma_start3A_241, %dma_start3A_242] : memref<2x800x64xf32, #tpu.memory_space<vmem>> -> memref<1x800x64xf32, #tpu.memory_space<vmem>>
    %dma_start3A_244 = tpu.memref_squeeze %dma_start3A_243 : memref<1x800x64xf32, #tpu.memory_space<vmem>> -> memref<800x64xf32, #tpu.memory_space<vmem>>
    tpu.enqueue_dma source(%dma_start3A_244 : memref<800x64xf32, #tpu.memory_space<vmem>>) target(%dma_start3A_240 : memref<800x64xf32, #tpu.memory_space<hbm>>) target_semaphore(%arg12 : memref<!tpu.dma_semaphore, #tpu.memory_space<semaphore_mem>>)
    %mul3A_245 = arith.constant 200 : i32
    %mul3A_246 = arith.muli %add3A_215, %mul3A_245 : i32
    %dma_start3A_247 = arith.constant 0 : i32
    %dma_start3A_248 = arith.constant 0 : i32
    %dma_start3A_249 = tpu.memref_slice %arg8[%dma_start3A_247, %dma_start3A_248] : memref<2x800xf32, #tpu.memory_space<vmem>> -> memref<1x800xf32, #tpu.memory_space<vmem>>
    %dma_start3A_250 = tpu.memref_squeeze %dma_start3A_249 : memref<1x800xf32, #tpu.memory_space<vmem>> -> memref<800xf32, #tpu.memory_space<vmem>>
    %dma_start3A_251 = tpu.memref_slice %arg5[%mul3A_246] : memref<819200xf32, #tpu.memory_space<hbm>> -> memref<800xf32, #tpu.memory_space<hbm>>
    %dma_start3A_252 = tpu.memref_slice %arg5[%mul3A_246] : memref<819200xf32, #tpu.memory_space<hbm>> -> memref<800xf32, #tpu.memory_space<hbm>>
    %dma_start3A_253 = arith.constant 0 : i32
    %dma_start3A_254 = tpu.memref_slice %arg8[%dma_start3A_247, %dma_start3A_253] : memref<2x800xf32, #tpu.memory_space<vmem>> -> memref<1x800xf32, #tpu.memory_space<vmem>>
    %dma_start3A_255 = tpu.memref_squeeze %dma_start3A_254 : memref<1x800xf32, #tpu.memory_space<vmem>> -> memref<800xf32, #tpu.memory_space<vmem>>
    tpu.enqueue_dma source(%dma_start3A_255 : memref<800xf32, #tpu.memory_space<vmem>>) target(%dma_start3A_252 : memref<800xf32, #tpu.memory_space<hbm>>) target_semaphore(%arg14 : memref<!tpu.dma_semaphore, #tpu.memory_space<semaphore_mem>>)
    %add3A_256 = arith.constant 8 : i32
    %add3A_257 = arith.addi %mul3A_2, %add3A_256 : i32
    %dma_wait3A_258 = arith.constant 0 : i32
    %dma_wait3A_259 = arith.constant 0 : i32
    %dma_wait3A_260 = tpu.memref_slice %arg8[%dma_wait3A_258, %dma_wait3A_259] : memref<2x800xf32, #tpu.memory_space<vmem>> -> memref<1x800xf32, #tpu.memory_space<vmem>>
    %dma_wait3A_261 = tpu.memref_squeeze %dma_wait3A_260 : memref<1x800xf32, #tpu.memory_space<vmem>> -> memref<800xf32, #tpu.memory_space<vmem>>
    %dma_wait3A_262 = arith.constant 0 : i32
    %dma_wait3A_263 = tpu.memref_slice %arg5[%dma_wait3A_262] : memref<819200xf32, #tpu.memory_space<hbm>> -> memref<800xf32, #tpu.memory_space<hbm>>
    %dma_wait3A_264 = arith.constant 0 : i32
    %dma_wait3A_265 = tpu.memref_slice %arg5[%dma_wait3A_264] : memref<819200xf32, #tpu.memory_space<hbm>> -> memref<800xf32, #tpu.memory_space<hbm>>
    %dma_wait3A_266 = arith.constant 0 : i32
    %dma_wait3A_267 = tpu.memref_slice %arg8[%dma_wait3A_258, %dma_wait3A_266] : memref<2x800xf32, #tpu.memory_space<vmem>> -> memref<1x800xf32, #tpu.memory_space<vmem>>
    %dma_wait3A_268 = tpu.memref_squeeze %dma_wait3A_267 : memref<1x800xf32, #tpu.memory_space<vmem>> -> memref<800xf32, #tpu.memory_space<vmem>>
    tpu.wait_dma2 semaphore(%arg14 : memref<!tpu.dma_semaphore, #tpu.memory_space<semaphore_mem>>) src(%dma_wait3A_268 : memref<800xf32, #tpu.memory_space<vmem>>) dst(%dma_wait3A_265 : memref<800xf32, #tpu.memory_space<hbm>>)
    %mul3A_269 = arith.constant 200 : i32
    %mul3A_270 = arith.muli %add3A_257, %mul3A_269 : i32
    %run_scoped3A_271 = arith.constant 0 : i32
    "tpu.region"() ({
      %run_scoped3A_490 = tpu.sem_alloc : memref<!tpu.dma_semaphore, #tpu.memory_space<semaphore_mem>>
      %dma_start3A_491 = arith.constant 0 : i32
      %dma_start3A_492 = tpu.memref_slice %arg6[%run_scoped3A_271, %dma_start3A_491] : memref<2x800xi32, #tpu.memory_space<vmem>> -> memref<1x800xi32, #tpu.memory_space<vmem>>
      %dma_start3A_493 = tpu.memref_squeeze %dma_start3A_492 : memref<1x800xi32, #tpu.memory_space<vmem>> -> memref<800xi32, #tpu.memory_space<vmem>>
      %dma_start3A_494 = tpu.memref_slice %arg2[%mul3A_270] : memref<819200xi32, #tpu.memory_space<hbm>> -> memref<800xi32, #tpu.memory_space<hbm>>
      %dma_start3A_495 = arith.constant 0 : i32
      %dma_start3A_496 = tpu.memref_slice %arg6[%run_scoped3A_271, %dma_start3A_495] : memref<2x800xi32, #tpu.memory_space<vmem>> -> memref<1x800xi32, #tpu.memory_space<vmem>>
      %dma_start3A_497 = tpu.memref_squeeze %dma_start3A_496 : memref<1x800xi32, #tpu.memory_space<vmem>> -> memref<800xi32, #tpu.memory_space<vmem>>
      %dma_start3A_498 = tpu.memref_slice %arg2[%mul3A_270] : memref<819200xi32, #tpu.memory_space<hbm>> -> memref<800xi32, #tpu.memory_space<hbm>>
      tpu.enqueue_dma source(%dma_start3A_498 : memref<800xi32, #tpu.memory_space<hbm>>) target(%dma_start3A_497 : memref<800xi32, #tpu.memory_space<vmem>>) target_semaphore(%run_scoped3A_490 : memref<!tpu.dma_semaphore, #tpu.memory_space<semaphore_mem>>)
      %dma_wait3A_499 = arith.constant 0 : i32
      %dma_wait3A_500 = tpu.memref_slice %arg6[%run_scoped3A_271, %dma_wait3A_499] : memref<2x800xi32, #tpu.memory_space<vmem>> -> memref<1x800xi32, #tpu.memory_space<vmem>>
      %dma_wait3A_501 = tpu.memref_squeeze %dma_wait3A_500 : memref<1x800xi32, #tpu.memory_space<vmem>> -> memref<800xi32, #tpu.memory_space<vmem>>
      %dma_wait3A_502 = tpu.memref_slice %arg2[%mul3A_270] : memref<819200xi32, #tpu.memory_space<hbm>> -> memref<800xi32, #tpu.memory_space<hbm>>
      %dma_wait3A_503 = arith.constant 0 : i32
      %dma_wait3A_504 = tpu.memref_slice %arg6[%run_scoped3A_271, %dma_wait3A_503] : memref<2x800xi32, #tpu.memory_space<vmem>> -> memref<1x800xi32, #tpu.memory_space<vmem>>
      %dma_wait3A_505 = tpu.memref_squeeze %dma_wait3A_504 : memref<1x800xi32, #tpu.memory_space<vmem>> -> memref<800xi32, #tpu.memory_space<vmem>>
      %dma_wait3A_506 = tpu.memref_slice %arg2[%mul3A_270] : memref<819200xi32, #tpu.memory_space<hbm>> -> memref<800xi32, #tpu.memory_space<hbm>>
      tpu.wait_dma2 semaphore(%run_scoped3A_490 : memref<!tpu.dma_semaphore, #tpu.memory_space<semaphore_mem>>) src(%dma_wait3A_506 : memref<800xi32, #tpu.memory_space<hbm>>) dst(%dma_wait3A_505 : memref<800xi32, #tpu.memory_space<vmem>>)
      tpu.yield
    }) : () -> ()
    %scan3A_272 = arith.constant 0 : i32
    %scan3A_273 = arith.constant 0 : i32
    %scan3A_274 = arith.constant 50 : i32
    %scan3A_275 = arith.addi %scan3A_273, %scan3A_274 : i32
    %scan3A_276 = arith.constant 1 : i32
    scf.for %scan3A_490 = %scan3A_273 to %scan3A_275 step %scan3A_276  : i32 {
      %mul3A_491 = arith.constant 16 : i32
      %mul3A_492 = arith.muli %scan3A_490, %mul3A_491 : i32
      %multiple_of3A = tpu.assume_multiple %mul3A_492, 16 : i32
      %get3A = arith.constant 0 : i32
      %get3A_493 = arith.index_cast %get3A : i32 to index
      %get3A_494 = arith.index_cast %multiple_of3A : i32 to index
      %get3A_495 = tpu.vector_load %arg6[%get3A_493, %get3A_494] {strides = array<i32>} : memref<2x800xi32, #tpu.memory_space<vmem>>, vector<1x16xi32>,
      %get3A_496 = vector.shape_cast %get3A_495 : vector<1x16xi32> to vector<16xi32>
      %ne3A = arith.constant -1 : i32
      %ne3A_497 = vector.broadcast %ne3A : i32 to vector<16xi32>
      %ne3A_498 = arith.cmpi ne, %get3A_496, %ne3A_497 : vector<16xi32>
      %jit3A = arith.constant 0 : i32
      %broadcast_in_dim3A = vector.broadcast %jit3A : i32 to vector<16xi32>
      %select_n3A = arith.select %ne3A_498, %get3A_496, %broadcast_in_dim3A : vector<16xi1>, vector<16xi32>
      %swap3A = arith.constant 0 : i32
      %swap3A_499 = arith.index_cast %swap3A : i32 to index
      %swap3A_500 = arith.index_cast %multiple_of3A : i32 to index
      %swap3A_501 = tpu.vector_load %arg7[%swap3A_499, %swap3A_500] {strides = array<i32>} : memref<2x800xi32, #tpu.memory_space<vmem>>, vector<1x16xi32>,
      %swap3A_502 = vector.shape_cast %swap3A_501 : vector<1x16xi32> to vector<16xi32>
      %swap3A_503 = vector.shape_cast %select_n3A : vector<16xi32> to vector<1x16xi32>
      tpu.vector_store %arg7[%swap3A_499, %swap3A_500], %swap3A_503 {strides = array<i32>} : memref<2x800xi32, #tpu.memory_space<vmem>>, vector<1x16xi32>,
      %jit3A_504 = arith.constant 1.000000e+00 : f32
      %jit3A_505 = arith.constant 0.000000e+00 : f32
      %broadcast_in_dim3A_506 = vector.broadcast %jit3A_504 : f32 to vector<16xf32>
      %broadcast_in_dim3A_507 = vector.broadcast %jit3A_505 : f32 to vector<16xf32>
      %select_n3A_508 = arith.select %ne3A_498, %broadcast_in_dim3A_506, %broadcast_in_dim3A_507 : vector<16xi1>, vector<16xf32>
      %swap3A_509 = arith.constant 0 : i32
      %swap3A_510 = arith.index_cast %swap3A_509 : i32 to index
      %swap3A_511 = arith.index_cast %multiple_of3A : i32 to index
      %swap3A_512 = tpu.vector_load %arg8[%swap3A_510, %swap3A_511] {strides = array<i32>} : memref<2x800xf32, #tpu.memory_space<vmem>>, vector<1x16xf32>,
      %swap3A_513 = vector.shape_cast %swap3A_512 : vector<1x16xf32> to vector<16xf32>
      %swap3A_514 = vector.shape_cast %select_n3A_508 : vector<16xf32> to vector<1x16xf32>
      tpu.vector_store %arg8[%swap3A_510, %swap3A_511], %swap3A_514 {strides = array<i32>} : memref<2x800xf32, #tpu.memory_space<vmem>>, vector<1x16xf32>,
    }
    %scan3A_277 = arith.constant 50 : i32
    %dma_wait3A_278 = arith.constant 0 : i32
    %dma_wait3A_279 = arith.constant 0 : i32
    %dma_wait3A_280 = arith.constant 0 : i32
    %dma_wait3A_281 = tpu.memref_slice %arg9[%dma_wait3A_278, %dma_wait3A_279, %dma_wait3A_280] : memref<2x800x64xf32, #tpu.memory_space<vmem>> -> memref<1x800x64xf32, #tpu.memory_space<vmem>>
    %dma_wait3A_282 = tpu.memref_squeeze %dma_wait3A_281 : memref<1x800x64xf32, #tpu.memory_space<vmem>> -> memref<800x64xf32, #tpu.memory_space<vmem>>
    %dma_wait3A_283 = arith.constant 0 : i32
    %dma_wait3A_284 = arith.constant 0 : i32
    %dma_wait3A_285 = tpu.memref_slice %arg4[%dma_wait3A_283, %dma_wait3A_284] : memref<819200x64xf32, #tpu.memory_space<hbm>> -> memref<800x64xf32, #tpu.memory_space<hbm>>
    %dma_wait3A_286 = arith.constant 0 : i32
    %dma_wait3A_287 = arith.constant 0 : i32
    %dma_wait3A_288 = tpu.memref_slice %arg4[%dma_wait3A_286, %dma_wait3A_287] : memref<819200x64xf32, #tpu.memory_space<hbm>> -> memref<800x64xf32, #tpu.memory_space<hbm>>
    %dma_wait3A_289 = arith.constant 0 : i32
    %dma_wait3A_290 = arith.constant 0 : i32
    %dma_wait3A_291 = tpu.memref_slice %arg9[%dma_wait3A_278, %dma_wait3A_289, %dma_wait3A_290] : memref<2x800x64xf32, #tpu.memory_space<vmem>> -> memref<1x800x64xf32, #tpu.memory_space<vmem>>
    %dma_wait3A_292 = tpu.memref_squeeze %dma_wait3A_291 : memref<1x800x64xf32, #tpu.memory_space<vmem>> -> memref<800x64xf32, #tpu.memory_space<vmem>>
    tpu.wait_dma2 semaphore(%arg12 : memref<!tpu.dma_semaphore, #tpu.memory_space<semaphore_mem>>) src(%dma_wait3A_292 : memref<800x64xf32, #tpu.memory_space<vmem>>) dst(%dma_wait3A_288 : memref<800x64xf32, #tpu.memory_space<hbm>>)
    %dma_start3A_293 = arith.constant 0 : i32
    %dma_start3A_294 = arith.constant 0 : i32
    %dma_start3A_295 = arith.constant 0 : i32
    %dma_start3A_296 = arith.constant 0 : i32
    %dma_start3A_297 = tpu.memref_slice %arg9[%dma_start3A_294, %dma_start3A_295, %dma_start3A_296] : memref<2x800x64xf32, #tpu.memory_space<vmem>> -> memref<1x128x64xf32, #tpu.memory_space<vmem>>
    %dma_start3A_298 = tpu.memref_squeeze %dma_start3A_297 : memref<1x128x64xf32, #tpu.memory_space<vmem>> -> memref<128x64xf32, #tpu.memory_space<vmem>>
    %dma_start3A_299 = arith.constant 0 : i32
    %dma_start3A_300 = tpu.memref_slice %arg7[%dma_start3A_293, %dma_start3A_299] : memref<2x800xi32, #tpu.memory_space<vmem>> -> memref<1x128xi32, #tpu.memory_space<vmem>>
    %dma_start3A_301 = tpu.memref_squeeze %dma_start3A_300 : memref<1x128xi32, #tpu.memory_space<vmem>> -> memref<128xi32, #tpu.memory_space<vmem>>
    %dma_start3A_302 = arith.constant 0 : i32
    %dma_start3A_303 = arith.constant 0 : i32
    %dma_start3A_304 = tpu.memref_slice %arg3[%dma_start3A_302, %dma_start3A_303] : memref<1000000x64xf32, #tpu.memory_space<hbm>> -> memref<1000000x64xf32, #tpu.memory_space<hbm>>
    tpu.enqueue_indirect_dma source(%dma_start3A_304 : memref<1000000x64xf32, #tpu.memory_space<hbm>>) target(%dma_start3A_298 : memref<128x64xf32, #tpu.memory_space<vmem>>) offsets(%dma_start3A_301 : memref<128xi32, #tpu.memory_space<vmem>>) semaphore(%arg10 : memref<!tpu.dma_semaphore, #tpu.memory_space<semaphore_mem>>)
    %dma_start3A_305 = arith.constant 0 : i32
    %dma_start3A_306 = arith.constant 0 : i32
    %dma_start3A_307 = arith.constant 128 : i32
    %dma_start3A_308 = arith.constant 0 : i32
    %dma_start3A_309 = tpu.memref_slice %arg9[%dma_start3A_306, %dma_start3A_307, %dma_start3A_308] : memref<2x800x64xf32, #tpu.memory_space<vmem>> -> memref<1x72x64xf32, #tpu.memory_space<vmem>>
    %dma_start3A_310 = tpu.memref_squeeze %dma_start3A_309 : memref<1x72x64xf32, #tpu.memory_space<vmem>> -> memref<72x64xf32, #tpu.memory_space<vmem>>
    %dma_start3A_311 = arith.constant 128 : i32
    %dma_start3A_312 = tpu.memref_slice %arg7[%dma_start3A_305, %dma_start3A_311] : memref<2x800xi32, #tpu.memory_space<vmem>> -> memref<1x72xi32, #tpu.memory_space<vmem>>
    %dma_start3A_313 = tpu.memref_squeeze %dma_start3A_312 : memref<1x72xi32, #tpu.memory_space<vmem>> -> memref<72xi32, #tpu.memory_space<vmem>>
    %dma_start3A_314 = arith.constant 0 : i32
    %dma_start3A_315 = arith.constant 0 : i32
    %dma_start3A_316 = tpu.memref_slice %arg3[%dma_start3A_314, %dma_start3A_315] : memref<1000000x64xf32, #tpu.memory_space<hbm>> -> memref<1000000x64xf32, #tpu.memory_space<hbm>>
    tpu.enqueue_indirect_dma source(%dma_start3A_316 : memref<1000000x64xf32, #tpu.memory_space<hbm>>) target(%dma_start3A_310 : memref<72x64xf32, #tpu.memory_space<vmem>>) offsets(%dma_start3A_313 : memref<72xi32, #tpu.memory_space<vmem>>) semaphore(%arg10 : memref<!tpu.dma_semaphore, #tpu.memory_space<semaphore_mem>>)
    %dma_start3A_317 = arith.constant 0 : i32
    %dma_start3A_318 = arith.constant 0 : i32
    %dma_start3A_319 = arith.constant 200 : i32
    %dma_start3A_320 = arith.constant 0 : i32
    %dma_start3A_321 = tpu.memref_slice %arg9[%dma_start3A_318, %dma_start3A_319, %dma_start3A_320] : memref<2x800x64xf32, #tpu.memory_space<vmem>> -> memref<1x128x64xf32, #tpu.memory_space<vmem>>
    %dma_start3A_322 = tpu.memref_squeeze %dma_start3A_321 : memref<1x128x64xf32, #tpu.memory_space<vmem>> -> memref<128x64xf32, #tpu.memory_space<vmem>>
    %dma_start3A_323 = arith.constant 200 : i32
    %dma_start3A_324 = tpu.memref_slice %arg7[%dma_start3A_317, %dma_start3A_323] : memref<2x800xi32, #tpu.memory_space<vmem>> -> memref<1x128xi32, #tpu.memory_space<vmem>>
    %dma_start3A_325 = tpu.memref_squeeze %dma_start3A_324 : memref<1x128xi32, #tpu.memory_space<vmem>> -> memref<128xi32, #tpu.memory_space<vmem>>
    %dma_start3A_326 = arith.constant 0 : i32
    %dma_start3A_327 = arith.constant 0 : i32
    %dma_start3A_328 = tpu.memref_slice %arg3[%dma_start3A_326, %dma_start3A_327] : memref<1000000x64xf32, #tpu.memory_space<hbm>> -> memref<1000000x64xf32, #tpu.memory_space<hbm>>
    tpu.enqueue_indirect_dma source(%dma_start3A_328 : memref<1000000x64xf32, #tpu.memory_space<hbm>>) target(%dma_start3A_322 : memref<128x64xf32, #tpu.memory_space<vmem>>) offsets(%dma_start3A_325 : memref<128xi32, #tpu.memory_space<vmem>>) semaphore(%arg10 : memref<!tpu.dma_semaphore, #tpu.memory_space<semaphore_mem>>)
    %dma_start3A_329 = arith.constant 0 : i32
    %dma_start3A_330 = arith.constant 0 : i32
    %dma_start3A_331 = arith.constant 328 : i32
    %dma_start3A_332 = arith.constant 0 : i32
    %dma_start3A_333 = tpu.memref_slice %arg9[%dma_start3A_330, %dma_start3A_331, %dma_start3A_332] : memref<2x800x64xf32, #tpu.memory_space<vmem>> -> memref<1x72x64xf32, #tpu.memory_space<vmem>>
    %dma_start3A_334 = tpu.memref_squeeze %dma_start3A_333 : memref<1x72x64xf32, #tpu.memory_space<vmem>> -> memref<72x64xf32, #tpu.memory_space<vmem>>
    %dma_start3A_335 = arith.constant 328 : i32
    %dma_start3A_336 = tpu.memref_slice %arg7[%dma_start3A_329, %dma_start3A_335] : memref<2x800xi32, #tpu.memory_space<vmem>> -> memref<1x72xi32, #tpu.memory_space<vmem>>
    %dma_start3A_337 = tpu.memref_squeeze %dma_start3A_336 : memref<1x72xi32, #tpu.memory_space<vmem>> -> memref<72xi32, #tpu.memory_space<vmem>>
    %dma_start3A_338 = arith.constant 0 : i32
    %dma_start3A_339 = arith.constant 0 : i32
    %dma_start3A_340 = tpu.memref_slice %arg3[%dma_start3A_338, %dma_start3A_339] : memref<1000000x64xf32, #tpu.memory_space<hbm>> -> memref<1000000x64xf32, #tpu.memory_space<hbm>>
    tpu.enqueue_indirect_dma source(%dma_start3A_340 : memref<1000000x64xf32, #tpu.memory_space<hbm>>) target(%dma_start3A_334 : memref<72x64xf32, #tpu.memory_space<vmem>>) offsets(%dma_start3A_337 : memref<72xi32, #tpu.memory_space<vmem>>) semaphore(%arg10 : memref<!tpu.dma_semaphore, #tpu.memory_space<semaphore_mem>>)
    %dma_start3A_341 = arith.constant 0 : i32
    %dma_start3A_342 = arith.constant 0 : i32
    %dma_start3A_343 = arith.constant 400 : i32
    %dma_start3A_344 = arith.constant 0 : i32
    %dma_start3A_345 = tpu.memref_slice %arg9[%dma_start3A_342, %dma_start3A_343, %dma_start3A_344] : memref<2x800x64xf32, #tpu.memory_space<vmem>> -> memref<1x128x64xf32, #tpu.memory_space<vmem>>
    %dma_start3A_346 = tpu.memref_squeeze %dma_start3A_345 : memref<1x128x64xf32, #tpu.memory_space<vmem>> -> memref<128x64xf32, #tpu.memory_space<vmem>>
    %dma_start3A_347 = arith.constant 400 : i32
    %dma_start3A_348 = tpu.memref_slice %arg7[%dma_start3A_341, %dma_start3A_347] : memref<2x800xi32, #tpu.memory_space<vmem>> -> memref<1x128xi32, #tpu.memory_space<vmem>>
    %dma_start3A_349 = tpu.memref_squeeze %dma_start3A_348 : memref<1x128xi32, #tpu.memory_space<vmem>> -> memref<128xi32, #tpu.memory_space<vmem>>
    %dma_start3A_350 = arith.constant 0 : i32
    %dma_start3A_351 = arith.constant 0 : i32
    %dma_start3A_352 = tpu.memref_slice %arg3[%dma_start3A_350, %dma_start3A_351] : memref<1000000x64xf32, #tpu.memory_space<hbm>> -> memref<1000000x64xf32, #tpu.memory_space<hbm>>
    tpu.enqueue_indirect_dma source(%dma_start3A_352 : memref<1000000x64xf32, #tpu.memory_space<hbm>>) target(%dma_start3A_346 : memref<128x64xf32, #tpu.memory_space<vmem>>) offsets(%dma_start3A_349 : memref<128xi32, #tpu.memory_space<vmem>>) semaphore(%arg10 : memref<!tpu.dma_semaphore, #tpu.memory_space<semaphore_mem>>)
    %dma_start3A_353 = arith.constant 0 : i32
    %dma_start3A_354 = arith.constant 0 : i32
    %dma_start3A_355 = arith.constant 528 : i32
    %dma_start3A_356 = arith.constant 0 : i32
    %dma_start3A_357 = tpu.memref_slice %arg9[%dma_start3A_354, %dma_start3A_355, %dma_start3A_356] : memref<2x800x64xf32, #tpu.memory_space<vmem>> -> memref<1x72x64xf32, #tpu.memory_space<vmem>>
    %dma_start3A_358 = tpu.memref_squeeze %dma_start3A_357 : memref<1x72x64xf32, #tpu.memory_space<vmem>> -> memref<72x64xf32, #tpu.memory_space<vmem>>
    %dma_start3A_359 = arith.constant 528 : i32
    %dma_start3A_360 = tpu.memref_slice %arg7[%dma_start3A_353, %dma_start3A_359] : memref<2x800xi32, #tpu.memory_space<vmem>> -> memref<1x72xi32, #tpu.memory_space<vmem>>
    %dma_start3A_361 = tpu.memref_squeeze %dma_start3A_360 : memref<1x72xi32, #tpu.memory_space<vmem>> -> memref<72xi32, #tpu.memory_space<vmem>>
    %dma_start3A_362 = arith.constant 0 : i32
    %dma_start3A_363 = arith.constant 0 : i32
    %dma_start3A_364 = tpu.memref_slice %arg3[%dma_start3A_362, %dma_start3A_363] : memref<1000000x64xf32, #tpu.memory_space<hbm>> -> memref<1000000x64xf32, #tpu.memory_space<hbm>>
    tpu.enqueue_indirect_dma source(%dma_start3A_364 : memref<1000000x64xf32, #tpu.memory_space<hbm>>) target(%dma_start3A_358 : memref<72x64xf32, #tpu.memory_space<vmem>>) offsets(%dma_start3A_361 : memref<72xi32, #tpu.memory_space<vmem>>) semaphore(%arg10 : memref<!tpu.dma_semaphore, #tpu.memory_space<semaphore_mem>>)
    %dma_start3A_365 = arith.constant 0 : i32
    %dma_start3A_366 = arith.constant 0 : i32
    %dma_start3A_367 = arith.constant 600 : i32
    %dma_start3A_368 = arith.constant 0 : i32
    %dma_start3A_369 = tpu.memref_slice %arg9[%dma_start3A_366, %dma_start3A_367, %dma_start3A_368] : memref<2x800x64xf32, #tpu.memory_space<vmem>> -> memref<1x128x64xf32, #tpu.memory_space<vmem>>
    %dma_start3A_370 = tpu.memref_squeeze %dma_start3A_369 : memref<1x128x64xf32, #tpu.memory_space<vmem>> -> memref<128x64xf32, #tpu.memory_space<vmem>>
    %dma_start3A_371 = arith.constant 600 : i32
    %dma_start3A_372 = tpu.memref_slice %arg7[%dma_start3A_365, %dma_start3A_371] : memref<2x800xi32, #tpu.memory_space<vmem>> -> memref<1x128xi32, #tpu.memory_space<vmem>>
    %dma_start3A_373 = tpu.memref_squeeze %dma_start3A_372 : memref<1x128xi32, #tpu.memory_space<vmem>> -> memref<128xi32, #tpu.memory_space<vmem>>
    %dma_start3A_374 = arith.constant 0 : i32
    %dma_start3A_375 = arith.constant 0 : i32
    %dma_start3A_376 = tpu.memref_slice %arg3[%dma_start3A_374, %dma_start3A_375] : memref<1000000x64xf32, #tpu.memory_space<hbm>> -> memref<1000000x64xf32, #tpu.memory_space<hbm>>
    tpu.enqueue_indirect_dma source(%dma_start3A_376 : memref<1000000x64xf32, #tpu.memory_space<hbm>>) target(%dma_start3A_370 : memref<128x64xf32, #tpu.memory_space<vmem>>) offsets(%dma_start3A_373 : memref<128xi32, #tpu.memory_space<vmem>>) semaphore(%arg10 : memref<!tpu.dma_semaphore, #tpu.memory_space<semaphore_mem>>)
    %dma_start3A_377 = arith.constant 0 : i32
    %dma_start3A_378 = arith.constant 0 : i32
    %dma_start3A_379 = arith.constant 728 : i32
    %dma_start3A_380 = arith.constant 0 : i32
    %dma_start3A_381 = tpu.memref_slice %arg9[%dma_start3A_378, %dma_start3A_379, %dma_start3A_380] : memref<2x800x64xf32, #tpu.memory_space<vmem>> -> memref<1x72x64xf32, #tpu.memory_space<vmem>>
    %dma_start3A_382 = tpu.memref_squeeze %dma_start3A_381 : memref<1x72x64xf32, #tpu.memory_space<vmem>> -> memref<72x64xf32, #tpu.memory_space<vmem>>
    %dma_start3A_383 = arith.constant 728 : i32
    %dma_start3A_384 = tpu.memref_slice %arg7[%dma_start3A_377, %dma_start3A_383] : memref<2x800xi32, #tpu.memory_space<vmem>> -> memref<1x72xi32, #tpu.memory_space<vmem>>
    %dma_start3A_385 = tpu.memref_squeeze %dma_start3A_384 : memref<1x72xi32, #tpu.memory_space<vmem>> -> memref<72xi32, #tpu.memory_space<vmem>>
    %dma_start3A_386 = arith.constant 0 : i32
    %dma_start3A_387 = arith.constant 0 : i32
    %dma_start3A_388 = tpu.memref_slice %arg3[%dma_start3A_386, %dma_start3A_387] : memref<1000000x64xf32, #tpu.memory_space<hbm>> -> memref<1000000x64xf32, #tpu.memory_space<hbm>>
    tpu.enqueue_indirect_dma source(%dma_start3A_388 : memref<1000000x64xf32, #tpu.memory_space<hbm>>) target(%dma_start3A_382 : memref<72x64xf32, #tpu.memory_space<vmem>>) offsets(%dma_start3A_385 : memref<72xi32, #tpu.memory_space<vmem>>) semaphore(%arg10 : memref<!tpu.dma_semaphore, #tpu.memory_space<semaphore_mem>>)
    %add3A_389 = arith.constant 4 : i32
    %add3A_390 = arith.addi %mul3A_2, %add3A_389 : i32
    %dma_wait3A_391 = arith.constant 1 : i32
    %dma_wait3A_392 = arith.constant 0 : i32
    %dma_wait3A_393 = arith.constant 0 : i32
    %dma_wait3A_394 = tpu.memref_slice %arg9[%dma_wait3A_391, %dma_wait3A_392, %dma_wait3A_393] : memref<2x800x64xf32, #tpu.memory_space<vmem>> -> memref<1x800x64xf32, #tpu.memory_space<vmem>>
    %dma_wait3A_395 = tpu.memref_squeeze %dma_wait3A_394 : memref<1x800x64xf32, #tpu.memory_space<vmem>> -> memref<800x64xf32, #tpu.memory_space<vmem>>
    %dma_wait3A_396 = arith.constant 0 : i32
    %dma_wait3A_397 = arith.constant 0 : i32
    %dma_wait3A_398 = tpu.memref_slice %arg3[%dma_wait3A_396, %dma_wait3A_397] : memref<1000000x64xf32, #tpu.memory_space<hbm>> -> memref<800x64xf32, #tpu.memory_space<hbm>>
    %dma_wait3A_399 = arith.constant 0 : i32
    %dma_wait3A_400 = arith.constant 0 : i32
    %dma_wait3A_401 = tpu.memref_slice %arg9[%dma_wait3A_391, %dma_wait3A_399, %dma_wait3A_400] : memref<2x800x64xf32, #tpu.memory_space<vmem>> -> memref<1x800x64xf32, #tpu.memory_space<vmem>>
    %dma_wait3A_402 = tpu.memref_squeeze %dma_wait3A_401 : memref<1x800x64xf32, #tpu.memory_space<vmem>> -> memref<800x64xf32, #tpu.memory_space<vmem>>
    %dma_wait3A_403 = arith.constant 0 : i32
    %dma_wait3A_404 = arith.constant 0 : i32
    %dma_wait3A_405 = tpu.memref_slice %arg3[%dma_wait3A_403, %dma_wait3A_404] : memref<1000000x64xf32, #tpu.memory_space<hbm>> -> memref<800x64xf32, #tpu.memory_space<hbm>>
    tpu.wait_dma2 semaphore(%arg11 : memref<!tpu.dma_semaphore, #tpu.memory_space<semaphore_mem>>) src(%dma_wait3A_405 : memref<800x64xf32, #tpu.memory_space<hbm>>) dst(%dma_wait3A_402 : memref<800x64xf32, #tpu.memory_space<vmem>>)
    %mul3A_406 = arith.constant 200 : i32
    %mul3A_407 = arith.muli %add3A_390, %mul3A_406 : i32
    %dma_start3A_408 = arith.constant 1 : i32
    %dma_start3A_409 = arith.constant 0 : i32
    %dma_start3A_410 = arith.constant 0 : i32
    %dma_start3A_411 = tpu.memref_slice %arg9[%dma_start3A_408, %dma_start3A_409, %dma_start3A_410] : memref<2x800x64xf32, #tpu.memory_space<vmem>> -> memref<1x800x64xf32, #tpu.memory_space<vmem>>
    %dma_start3A_412 = tpu.memref_squeeze %dma_start3A_411 : memref<1x800x64xf32, #tpu.memory_space<vmem>> -> memref<800x64xf32, #tpu.memory_space<vmem>>
    %dma_start3A_413 = arith.constant 0 : i32
    %dma_start3A_414 = tpu.memref_slice %arg4[%mul3A_407, %dma_start3A_413] : memref<819200x64xf32, #tpu.memory_space<hbm>> -> memref<800x64xf32, #tpu.memory_space<hbm>>
    %dma_start3A_415 = arith.constant 0 : i32
    %dma_start3A_416 = tpu.memref_slice %arg4[%mul3A_407, %dma_start3A_415] : memref<819200x64xf32, #tpu.memory_space<hbm>> -> memref<800x64xf32, #tpu.memory_space<hbm>>
    %dma_start3A_417 = arith.constant 0 : i32
    %dma_start3A_418 = arith.constant 0 : i32
    %dma_start3A_419 = tpu.memref_slice %arg9[%dma_start3A_408, %dma_start3A_417, %dma_start3A_418] : memref<2x800x64xf32, #tpu.memory_space<vmem>> -> memref<1x800x64xf32, #tpu.memory_space<vmem>>
    %dma_start3A_420 = tpu.memref_squeeze %dma_start3A_419 : memref<1x800x64xf32, #tpu.memory_space<vmem>> -> memref<800x64xf32, #tpu.memory_space<vmem>>
    tpu.enqueue_dma source(%dma_start3A_420 : memref<800x64xf32, #tpu.memory_space<vmem>>) target(%dma_start3A_416 : memref<800x64xf32, #tpu.memory_space<hbm>>) target_semaphore(%arg13 : memref<!tpu.dma_semaphore, #tpu.memory_space<semaphore_mem>>)
    %mul3A_421 = arith.constant 200 : i32
    %mul3A_422 = arith.muli %add3A_390, %mul3A_421 : i32
    %dma_start3A_423 = arith.constant 1 : i32
    %dma_start3A_424 = arith.constant 0 : i32
    %dma_start3A_425 = tpu.memref_slice %arg8[%dma_start3A_423, %dma_start3A_424] : memref<2x800xf32, #tpu.memory_space<vmem>> -> memref<1x800xf32, #tpu.memory_space<vmem>>
    %dma_start3A_426 = tpu.memref_squeeze %dma_start3A_425 : memref<1x800xf32, #tpu.memory_space<vmem>> -> memref<800xf32, #tpu.memory_space<vmem>>
    %dma_start3A_427 = tpu.memref_slice %arg5[%mul3A_422] : memref<819200xf32, #tpu.memory_space<hbm>> -> memref<800xf32, #tpu.memory_space<hbm>>
    %dma_start3A_428 = tpu.memref_slice %arg5[%mul3A_422] : memref<819200xf32, #tpu.memory_space<hbm>> -> memref<800xf32, #tpu.memory_space<hbm>>
    %dma_start3A_429 = arith.constant 0 : i32
    %dma_start3A_430 = tpu.memref_slice %arg8[%dma_start3A_423, %dma_start3A_429] : memref<2x800xf32, #tpu.memory_space<vmem>> -> memref<1x800xf32, #tpu.memory_space<vmem>>
    %dma_start3A_431 = tpu.memref_squeeze %dma_start3A_430 : memref<1x800xf32, #tpu.memory_space<vmem>> -> memref<800xf32, #tpu.memory_space<vmem>>
    tpu.enqueue_dma source(%dma_start3A_431 : memref<800xf32, #tpu.memory_space<vmem>>) target(%dma_start3A_428 : memref<800xf32, #tpu.memory_space<hbm>>) target_semaphore(%arg15 : memref<!tpu.dma_semaphore, #tpu.memory_space<semaphore_mem>>)
    %scan3A_432 = arith.constant 0 : i32
    %scan3A_433 = arith.constant 1 : i32
    %scan3A_434 = arith.constant 15 : i32
    %scan3A_435 = arith.addi %scan3A_433, %scan3A_434 : i32
    %scan3A_436 = arith.constant 1 : i32
    scf.for %scan3A_490 = %scan3A_433 to %scan3A_435 step %scan3A_436  : i32 {
      %mul3A_491 = arith.constant 2 : i32
      %mul3A_492 = arith.muli %scan3A_490, %mul3A_491 : i32
      %add3A_493 = arith.constant 1 : i32
      %add3A_494 = arith.addi %mul3A_492, %add3A_493 : i32
      %mul3A_495 = arith.constant 4 : i32
      %mul3A_496 = arith.muli %add3A_494, %mul3A_495 : i32
      %add3A_497 = arith.addi %mul3A_2, %mul3A_496 : i32
      %dma_wait3A_498 = arith.constant 1 : i32
      %dma_wait3A_499 = arith.constant 0 : i32
      %dma_wait3A_500 = tpu.memref_slice %arg8[%dma_wait3A_498, %dma_wait3A_499] : memref<2x800xf32, #tpu.memory_space<vmem>> -> memref<1x800xf32, #tpu.memory_space<vmem>>
      %dma_wait3A_501 = tpu.memref_squeeze %dma_wait3A_500 : memref<1x800xf32, #tpu.memory_space<vmem>> -> memref<800xf32, #tpu.memory_space<vmem>>
      %dma_wait3A_502 = arith.constant 0 : i32
      %dma_wait3A_503 = tpu.memref_slice %arg5[%dma_wait3A_502] : memref<819200xf32, #tpu.memory_space<hbm>> -> memref<800xf32, #tpu.memory_space<hbm>>
      %dma_wait3A_504 = arith.constant 0 : i32
      %dma_wait3A_505 = tpu.memref_slice %arg5[%dma_wait3A_504] : memref<819200xf32, #tpu.memory_space<hbm>> -> memref<800xf32, #tpu.memory_space<hbm>>
      %dma_wait3A_506 = arith.constant 0 : i32
      %dma_wait3A_507 = tpu.memref_slice %arg8[%dma_wait3A_498, %dma_wait3A_506] : memref<2x800xf32, #tpu.memory_space<vmem>> -> memref<1x800xf32, #tpu.memory_space<vmem>>
      %dma_wait3A_508 = tpu.memref_squeeze %dma_wait3A_507 : memref<1x800xf32, #tpu.memory_space<vmem>> -> memref<800xf32, #tpu.memory_space<vmem>>
      tpu.wait_dma2 semaphore(%arg15 : memref<!tpu.dma_semaphore, #tpu.memory_space<semaphore_mem>>) src(%dma_wait3A_508 : memref<800xf32, #tpu.memory_space<vmem>>) dst(%dma_wait3A_505 : memref<800xf32, #tpu.memory_space<hbm>>)
      %mul3A_509 = arith.constant 200 : i32
      %mul3A_510 = arith.muli %add3A_497, %mul3A_509 : i32
      %run_scoped3A_511 = arith.constant 1 : i32
      "tpu.region"() ({
        %run_scoped3A_723 = tpu.sem_alloc : memref<!tpu.dma_semaphore, #tpu.memory_space<semaphore_mem>>
        %dma_start3A_724 = arith.constant 0 : i32
        %dma_start3A_725 = tpu.memref_slice %arg6[%run_scoped3A_511, %dma_start3A_724] : memref<2x800xi32, #tpu.memory_space<vmem>> -> memref<1x800xi32, #tpu.memory_space<vmem>>
        %dma_start3A_726 = tpu.memref_squeeze %dma_start3A_725 : memref<1x800xi32, #tpu.memory_space<vmem>> -> memref<800xi32, #tpu.memory_space<vmem>>
        %dma_start3A_727 = tpu.memref_slice %arg2[%mul3A_510] : memref<819200xi32, #tpu.memory_space<hbm>> -> memref<800xi32, #tpu.memory_space<hbm>>
        %dma_start3A_728 = arith.constant 0 : i32
        %dma_start3A_729 = tpu.memref_slice %arg6[%run_scoped3A_511, %dma_start3A_728] : memref<2x800xi32, #tpu.memory_space<vmem>> -> memref<1x800xi32, #tpu.memory_space<vmem>>
        %dma_start3A_730 = tpu.memref_squeeze %dma_start3A_729 : memref<1x800xi32, #tpu.memory_space<vmem>> -> memref<800xi32, #tpu.memory_space<vmem>>
        %dma_start3A_731 = tpu.memref_slice %arg2[%mul3A_510] : memref<819200xi32, #tpu.memory_space<hbm>> -> memref<800xi32, #tpu.memory_space<hbm>>
        tpu.enqueue_dma source(%dma_start3A_731 : memref<800xi32, #tpu.memory_space<hbm>>) target(%dma_start3A_730 : memref<800xi32, #tpu.memory_space<vmem>>) target_semaphore(%run_scoped3A_723 : memref<!tpu.dma_semaphore, #tpu.memory_space<semaphore_mem>>)
        %dma_wait3A_732 = arith.constant 0 : i32
        %dma_wait3A_733 = tpu.memref_slice %arg6[%run_scoped3A_511, %dma_wait3A_732] : memref<2x800xi32, #tpu.memory_space<vmem>> -> memref<1x800xi32, #tpu.memory_space<vmem>>
        %dma_wait3A_734 = tpu.memref_squeeze %dma_wait3A_733 : memref<1x800xi32, #tpu.memory_space<vmem>> -> memref<800xi32, #tpu.memory_space<vmem>>
        %dma_wait3A_735 = tpu.memref_slice %arg2[%mul3A_510] : memref<819200xi32, #tpu.memory_space<hbm>> -> memref<800xi32, #tpu.memory_space<hbm>>
        %dma_wait3A_736 = arith.constant 0 : i32
        %dma_wait3A_737 = tpu.memref_slice %arg6[%run_scoped3A_511, %dma_wait3A_736] : memref<2x800xi32, #tpu.memory_space<vmem>> -> memref<1x800xi32, #tpu.memory_space<vmem>>
        %dma_wait3A_738 = tpu.memref_squeeze %dma_wait3A_737 : memref<1x800xi32, #tpu.memory_space<vmem>> -> memref<800xi32, #tpu.memory_space<vmem>>
        %dma_wait3A_739 = tpu.memref_slice %arg2[%mul3A_510] : memref<819200xi32, #tpu.memory_space<hbm>> -> memref<800xi32, #tpu.memory_space<hbm>>
        tpu.wait_dma2 semaphore(%run_scoped3A_723 : memref<!tpu.dma_semaphore, #tpu.memory_space<semaphore_mem>>) src(%dma_wait3A_739 : memref<800xi32, #tpu.memory_space<hbm>>) dst(%dma_wait3A_738 : memref<800xi32, #tpu.memory_space<vmem>>)
        tpu.yield
      }) : () -> ()
      %scan3A_512 = arith.constant 0 : i32
      %scan3A_513 = arith.constant 0 : i32
      %scan3A_514 = arith.constant 50 : i32
      %scan3A_515 = arith.addi %scan3A_513, %scan3A_514 : i32
      %scan3A_516 = arith.constant 1 : i32
      scf.for %scan3A_723 = %scan3A_513 to %scan3A_515 step %scan3A_516  : i32 {
        %mul3A_724 = arith.constant 16 : i32
        %mul3A_725 = arith.muli %scan3A_723, %mul3A_724 : i32
        %multiple_of3A = tpu.assume_multiple %mul3A_725, 16 : i32
        %get3A = arith.constant 1 : i32
        %get3A_726 = arith.index_cast %get3A : i32 to index
        %get3A_727 = arith.index_cast %multiple_of3A : i32 to index
        %get3A_728 = tpu.vector_load %arg6[%get3A_726, %get3A_727] {strides = array<i32>} : memref<2x800xi32, #tpu.memory_space<vmem>>, vector<1x16xi32>,
        %get3A_729 = vector.shape_cast %get3A_728 : vector<1x16xi32> to vector<16xi32>
        %ne3A = arith.constant -1 : i32
        %ne3A_730 = vector.broadcast %ne3A : i32 to vector<16xi32>
        %ne3A_731 = arith.cmpi ne, %get3A_729, %ne3A_730 : vector<16xi32>
        %jit3A = arith.constant 0 : i32
        %broadcast_in_dim3A = vector.broadcast %jit3A : i32 to vector<16xi32>
        %select_n3A = arith.select %ne3A_731, %get3A_729, %broadcast_in_dim3A : vector<16xi1>, vector<16xi32>
        %swap3A = arith.constant 1 : i32
        %swap3A_732 = arith.index_cast %swap3A : i32 to index
        %swap3A_733 = arith.index_cast %multiple_of3A : i32 to index
        %swap3A_734 = tpu.vector_load %arg7[%swap3A_732, %swap3A_733] {strides = array<i32>} : memref<2x800xi32, #tpu.memory_space<vmem>>, vector<1x16xi32>,
        %swap3A_735 = vector.shape_cast %swap3A_734 : vector<1x16xi32> to vector<16xi32>
        %swap3A_736 = vector.shape_cast %select_n3A : vector<16xi32> to vector<1x16xi32>
        tpu.vector_store %arg7[%swap3A_732, %swap3A_733], %swap3A_736 {strides = array<i32>} : memref<2x800xi32, #tpu.memory_space<vmem>>, vector<1x16xi32>,
        %jit3A_737 = arith.constant 1.000000e+00 : f32
        %jit3A_738 = arith.constant 0.000000e+00 : f32
        %broadcast_in_dim3A_739 = vector.broadcast %jit3A_737 : f32 to vector<16xf32>
        %broadcast_in_dim3A_740 = vector.broadcast %jit3A_738 : f32 to vector<16xf32>
        %select_n3A_741 = arith.select %ne3A_731, %broadcast_in_dim3A_739, %broadcast_in_dim3A_740 : vector<16xi1>, vector<16xf32>
        %swap3A_742 = arith.constant 1 : i32
        %swap3A_743 = arith.index_cast %swap3A_742 : i32 to index
        %swap3A_744 = arith.index_cast %multiple_of3A : i32 to index
        %swap3A_745 = tpu.vector_load %arg8[%swap3A_743, %swap3A_744] {strides = array<i32>} : memref<2x800xf32, #tpu.memory_space<vmem>>, vector<1x16xf32>,
        %swap3A_746 = vector.shape_cast %swap3A_745 : vector<1x16xf32> to vector<16xf32>
        %swap3A_747 = vector.shape_cast %select_n3A_741 : vector<16xf32> to vector<1x16xf32>
        tpu.vector_store %arg8[%swap3A_743, %swap3A_744], %swap3A_747 {strides = array<i32>} : memref<2x800xf32, #tpu.memory_space<vmem>>, vector<1x16xf32>,
      }
      %scan3A_517 = arith.constant 50 : i32
      %dma_wait3A_518 = arith.constant 1 : i32
      %dma_wait3A_519 = arith.constant 0 : i32
      %dma_wait3A_520 = arith.constant 0 : i32
      %dma_wait3A_521 = tpu.memref_slice %arg9[%dma_wait3A_518, %dma_wait3A_519, %dma_wait3A_520] : memref<2x800x64xf32, #tpu.memory_space<vmem>> -> memref<1x800x64xf32, #tpu.memory_space<vmem>>
      %dma_wait3A_522 = tpu.memref_squeeze %dma_wait3A_521 : memref<1x800x64xf32, #tpu.memory_space<vmem>> -> memref<800x64xf32, #tpu.memory_space<vmem>>
      %dma_wait3A_523 = arith.constant 0 : i32
      %dma_wait3A_524 = arith.constant 0 : i32
      %dma_wait3A_525 = tpu.memref_slice %arg4[%dma_wait3A_523, %dma_wait3A_524] : memref<819200x64xf32, #tpu.memory_space<hbm>> -> memref<800x64xf32, #tpu.memory_space<hbm>>
      %dma_wait3A_526 = arith.constant 0 : i32
      %dma_wait3A_527 = arith.constant 0 : i32
      %dma_wait3A_528 = tpu.memref_slice %arg4[%dma_wait3A_526, %dma_wait3A_527] : memref<819200x64xf32, #tpu.memory_space<hbm>> -> memref<800x64xf32, #tpu.memory_space<hbm>>
      %dma_wait3A_529 = arith.constant 0 : i32
      %dma_wait3A_530 = arith.constant 0 : i32
      %dma_wait3A_531 = tpu.memref_slice %arg9[%dma_wait3A_518, %dma_wait3A_529, %dma_wait3A_530] : memref<2x800x64xf32, #tpu.memory_space<vmem>> -> memref<1x800x64xf32, #tpu.memory_space<vmem>>
      %dma_wait3A_532 = tpu.memref_squeeze %dma_wait3A_531 : memref<1x800x64xf32, #tpu.memory_space<vmem>> -> memref<800x64xf32, #tpu.memory_space<vmem>>
      tpu.wait_dma2 semaphore(%arg13 : memref<!tpu.dma_semaphore, #tpu.memory_space<semaphore_mem>>) src(%dma_wait3A_532 : memref<800x64xf32, #tpu.memory_space<vmem>>) dst(%dma_wait3A_528 : memref<800x64xf32, #tpu.memory_space<hbm>>)
      %dma_start3A_533 = arith.constant 1 : i32
      %dma_start3A_534 = arith.constant 1 : i32
      %dma_start3A_535 = arith.constant 0 : i32
      %dma_start3A_536 = arith.constant 0 : i32
      %dma_start3A_537 = tpu.memref_slice %arg9[%dma_start3A_534, %dma_start3A_535, %dma_start3A_536] : memref<2x800x64xf32, #tpu.memory_space<vmem>> -> memref<1x128x64xf32, #tpu.memory_space<vmem>>
      %dma_start3A_538 = tpu.memref_squeeze %dma_start3A_537 : memref<1x128x64xf32, #tpu.memory_space<vmem>> -> memref<128x64xf32, #tpu.memory_space<vmem>>
      %dma_start3A_539 = arith.constant 0 : i32
      %dma_start3A_540 = tpu.memref_slice %arg7[%dma_start3A_533, %dma_start3A_539] : memref<2x800xi32, #tpu.memory_space<vmem>> -> memref<1x128xi32, #tpu.memory_space<vmem>>
      %dma_start3A_541 = tpu.memref_squeeze %dma_start3A_540 : memref<1x128xi32, #tpu.memory_space<vmem>> -> memref<128xi32, #tpu.memory_space<vmem>>
      %dma_start3A_542 = arith.constant 0 : i32
      %dma_start3A_543 = arith.constant 0 : i32
      %dma_start3A_544 = tpu.memref_slice %arg3[%dma_start3A_542, %dma_start3A_543] : memref<1000000x64xf32, #tpu.memory_space<hbm>> -> memref<1000000x64xf32, #tpu.memory_space<hbm>>
      tpu.enqueue_indirect_dma source(%dma_start3A_544 : memref<1000000x64xf32, #tpu.memory_space<hbm>>) target(%dma_start3A_538 : memref<128x64xf32, #tpu.memory_space<vmem>>) offsets(%dma_start3A_541 : memref<128xi32, #tpu.memory_space<vmem>>) semaphore(%arg11 : memref<!tpu.dma_semaphore, #tpu.memory_space<semaphore_mem>>)
      %dma_start3A_545 = arith.constant 1 : i32
      %dma_start3A_546 = arith.constant 1 : i32
      %dma_start3A_547 = arith.constant 128 : i32
      %dma_start3A_548 = arith.constant 0 : i32
      %dma_start3A_549 = tpu.memref_slice %arg9[%dma_start3A_546, %dma_start3A_547, %dma_start3A_548] : memref<2x800x64xf32, #tpu.memory_space<vmem>> -> memref<1x72x64xf32, #tpu.memory_space<vmem>>
      %dma_start3A_550 = tpu.memref_squeeze %dma_start3A_549 : memref<1x72x64xf32, #tpu.memory_space<vmem>> -> memref<72x64xf32, #tpu.memory_space<vmem>>
      %dma_start3A_551 = arith.constant 128 : i32
      %dma_start3A_552 = tpu.memref_slice %arg7[%dma_start3A_545, %dma_start3A_551] : memref<2x800xi32, #tpu.memory_space<vmem>> -> memref<1x72xi32, #tpu.memory_space<vmem>>
      %dma_start3A_553 = tpu.memref_squeeze %dma_start3A_552 : memref<1x72xi32, #tpu.memory_space<vmem>> -> memref<72xi32, #tpu.memory_space<vmem>>
      %dma_start3A_554 = arith.constant 0 : i32
      %dma_start3A_555 = arith.constant 0 : i32
      %dma_start3A_556 = tpu.memref_slice %arg3[%dma_start3A_554, %dma_start3A_555] : memref<1000000x64xf32, #tpu.memory_space<hbm>> -> memref<1000000x64xf32, #tpu.memory_space<hbm>>
      tpu.enqueue_indirect_dma source(%dma_start3A_556 : memref<1000000x64xf32, #tpu.memory_space<hbm>>) target(%dma_start3A_550 : memref<72x64xf32, #tpu.memory_space<vmem>>) offsets(%dma_start3A_553 : memref<72xi32, #tpu.memory_space<vmem>>) semaphore(%arg11 : memref<!tpu.dma_semaphore, #tpu.memory_space<semaphore_mem>>)
      %dma_start3A_557 = arith.constant 1 : i32
      %dma_start3A_558 = arith.constant 1 : i32
      %dma_start3A_559 = arith.constant 200 : i32
      %dma_start3A_560 = arith.constant 0 : i32
      %dma_start3A_561 = tpu.memref_slice %arg9[%dma_start3A_558, %dma_start3A_559, %dma_start3A_560] : memref<2x800x64xf32, #tpu.memory_space<vmem>> -> memref<1x128x64xf32, #tpu.memory_space<vmem>>
      %dma_start3A_562 = tpu.memref_squeeze %dma_start3A_561 : memref<1x128x64xf32, #tpu.memory_space<vmem>> -> memref<128x64xf32, #tpu.memory_space<vmem>>
      %dma_start3A_563 = arith.constant 200 : i32
      %dma_start3A_564 = tpu.memref_slice %arg7[%dma_start3A_557, %dma_start3A_563] : memref<2x800xi32, #tpu.memory_space<vmem>> -> memref<1x128xi32, #tpu.memory_space<vmem>>
      %dma_start3A_565 = tpu.memref_squeeze %dma_start3A_564 : memref<1x128xi32, #tpu.memory_space<vmem>> -> memref<128xi32, #tpu.memory_space<vmem>>
      %dma_start3A_566 = arith.constant 0 : i32
      %dma_start3A_567 = arith.constant 0 : i32
      %dma_start3A_568 = tpu.memref_slice %arg3[%dma_start3A_566, %dma_start3A_567] : memref<1000000x64xf32, #tpu.memory_space<hbm>> -> memref<1000000x64xf32, #tpu.memory_space<hbm>>
      tpu.enqueue_indirect_dma source(%dma_start3A_568 : memref<1000000x64xf32, #tpu.memory_space<hbm>>) target(%dma_start3A_562 : memref<128x64xf32, #tpu.memory_space<vmem>>) offsets(%dma_start3A_565 : memref<128xi32, #tpu.memory_space<vmem>>) semaphore(%arg11 : memref<!tpu.dma_semaphore, #tpu.memory_space<semaphore_mem>>)
      %dma_start3A_569 = arith.constant 1 : i32
      %dma_start3A_570 = arith.constant 1 : i32
      %dma_start3A_571 = arith.constant 328 : i32
      %dma_start3A_572 = arith.constant 0 : i32
      %dma_start3A_573 = tpu.memref_slice %arg9[%dma_start3A_570, %dma_start3A_571, %dma_start3A_572] : memref<2x800x64xf32, #tpu.memory_space<vmem>> -> memref<1x72x64xf32, #tpu.memory_space<vmem>>
      %dma_start3A_574 = tpu.memref_squeeze %dma_start3A_573 : memref<1x72x64xf32, #tpu.memory_space<vmem>> -> memref<72x64xf32, #tpu.memory_space<vmem>>
      %dma_start3A_575 = arith.constant 328 : i32
      %dma_start3A_576 = tpu.memref_slice %arg7[%dma_start3A_569, %dma_start3A_575] : memref<2x800xi32, #tpu.memory_space<vmem>> -> memref<1x72xi32, #tpu.memory_space<vmem>>
      %dma_start3A_577 = tpu.memref_squeeze %dma_start3A_576 : memref<1x72xi32, #tpu.memory_space<vmem>> -> memref<72xi32, #tpu.memory_space<vmem>>
      %dma_start3A_578 = arith.constant 0 : i32
      %dma_start3A_579 = arith.constant 0 : i32
      %dma_start3A_580 = tpu.memref_slice %arg3[%dma_start3A_578, %dma_start3A_579] : memref<1000000x64xf32, #tpu.memory_space<hbm>> -> memref<1000000x64xf32, #tpu.memory_space<hbm>>
      tpu.enqueue_indirect_dma source(%dma_start3A_580 : memref<1000000x64xf32, #tpu.memory_space<hbm>>) target(%dma_start3A_574 : memref<72x64xf32, #tpu.memory_space<vmem>>) offsets(%dma_start3A_577 : memref<72xi32, #tpu.memory_space<vmem>>) semaphore(%arg11 : memref<!tpu.dma_semaphore, #tpu.memory_space<semaphore_mem>>)
      %dma_start3A_581 = arith.constant 1 : i32
      %dma_start3A_582 = arith.constant 1 : i32
      %dma_start3A_583 = arith.constant 400 : i32
      %dma_start3A_584 = arith.constant 0 : i32
      %dma_start3A_585 = tpu.memref_slice %arg9[%dma_start3A_582, %dma_start3A_583, %dma_start3A_584] : memref<2x800x64xf32, #tpu.memory_space<vmem>> -> memref<1x128x64xf32, #tpu.memory_space<vmem>>
      %dma_start3A_586 = tpu.memref_squeeze %dma_start3A_585 : memref<1x128x64xf32, #tpu.memory_space<vmem>> -> memref<128x64xf32, #tpu.memory_space<vmem>>
      %dma_start3A_587 = arith.constant 400 : i32
      %dma_start3A_588 = tpu.memref_slice %arg7[%dma_start3A_581, %dma_start3A_587] : memref<2x800xi32, #tpu.memory_space<vmem>> -> memref<1x128xi32, #tpu.memory_space<vmem>>
      %dma_start3A_589 = tpu.memref_squeeze %dma_start3A_588 : memref<1x128xi32, #tpu.memory_space<vmem>> -> memref<128xi32, #tpu.memory_space<vmem>>
      %dma_start3A_590 = arith.constant 0 : i32
      %dma_start3A_591 = arith.constant 0 : i32
      %dma_start3A_592 = tpu.memref_slice %arg3[%dma_start3A_590, %dma_start3A_591] : memref<1000000x64xf32, #tpu.memory_space<hbm>> -> memref<1000000x64xf32, #tpu.memory_space<hbm>>
      tpu.enqueue_indirect_dma source(%dma_start3A_592 : memref<1000000x64xf32, #tpu.memory_space<hbm>>) target(%dma_start3A_586 : memref<128x64xf32, #tpu.memory_space<vmem>>) offsets(%dma_start3A_589 : memref<128xi32, #tpu.memory_space<vmem>>) semaphore(%arg11 : memref<!tpu.dma_semaphore, #tpu.memory_space<semaphore_mem>>)
      %dma_start3A_593 = arith.constant 1 : i32
      %dma_start3A_594 = arith.constant 1 : i32
      %dma_start3A_595 = arith.constant 528 : i32
      %dma_start3A_596 = arith.constant 0 : i32
      %dma_start3A_597 = tpu.memref_slice %arg9[%dma_start3A_594, %dma_start3A_595, %dma_start3A_596] : memref<2x800x64xf32, #tpu.memory_space<vmem>> -> memref<1x72x64xf32, #tpu.memory_space<vmem>>
      %dma_start3A_598 = tpu.memref_squeeze %dma_start3A_597 : memref<1x72x64xf32, #tpu.memory_space<vmem>> -> memref<72x64xf32, #tpu.memory_space<vmem>>
      %dma_start3A_599 = arith.constant 528 : i32
      %dma_start3A_600 = tpu.memref_slice %arg7[%dma_start3A_593, %dma_start3A_599] : memref<2x800xi32, #tpu.memory_space<vmem>> -> memref<1x72xi32, #tpu.memory_space<vmem>>
      %dma_start3A_601 = tpu.memref_squeeze %dma_start3A_600 : memref<1x72xi32, #tpu.memory_space<vmem>> -> memref<72xi32, #tpu.memory_space<vmem>>
      %dma_start3A_602 = arith.constant 0 : i32
      %dma_start3A_603 = arith.constant 0 : i32
      %dma_start3A_604 = tpu.memref_slice %arg3[%dma_start3A_602, %dma_start3A_603] : memref<1000000x64xf32, #tpu.memory_space<hbm>> -> memref<1000000x64xf32, #tpu.memory_space<hbm>>
      tpu.enqueue_indirect_dma source(%dma_start3A_604 : memref<1000000x64xf32, #tpu.memory_space<hbm>>) target(%dma_start3A_598 : memref<72x64xf32, #tpu.memory_space<vmem>>) offsets(%dma_start3A_601 : memref<72xi32, #tpu.memory_space<vmem>>) semaphore(%arg11 : memref<!tpu.dma_semaphore, #tpu.memory_space<semaphore_mem>>)
      %dma_start3A_605 = arith.constant 1 : i32
      %dma_start3A_606 = arith.constant 1 : i32
      %dma_start3A_607 = arith.constant 600 : i32
      %dma_start3A_608 = arith.constant 0 : i32
      %dma_start3A_609 = tpu.memref_slice %arg9[%dma_start3A_606, %dma_start3A_607, %dma_start3A_608] : memref<2x800x64xf32, #tpu.memory_space<vmem>> -> memref<1x128x64xf32, #tpu.memory_space<vmem>>
      %dma_start3A_610 = tpu.memref_squeeze %dma_start3A_609 : memref<1x128x64xf32, #tpu.memory_space<vmem>> -> memref<128x64xf32, #tpu.memory_space<vmem>>
      %dma_start3A_611 = arith.constant 600 : i32
      %dma_start3A_612 = tpu.memref_slice %arg7[%dma_start3A_605, %dma_start3A_611] : memref<2x800xi32, #tpu.memory_space<vmem>> -> memref<1x128xi32, #tpu.memory_space<vmem>>
      %dma_start3A_613 = tpu.memref_squeeze %dma_start3A_612 : memref<1x128xi32, #tpu.memory_space<vmem>> -> memref<128xi32, #tpu.memory_space<vmem>>
      %dma_start3A_614 = arith.constant 0 : i32
      %dma_start3A_615 = arith.constant 0 : i32
      %dma_start3A_616 = tpu.memref_slice %arg3[%dma_start3A_614, %dma_start3A_615] : memref<1000000x64xf32, #tpu.memory_space<hbm>> -> memref<1000000x64xf32, #tpu.memory_space<hbm>>
      tpu.enqueue_indirect_dma source(%dma_start3A_616 : memref<1000000x64xf32, #tpu.memory_space<hbm>>) target(%dma_start3A_610 : memref<128x64xf32, #tpu.memory_space<vmem>>) offsets(%dma_start3A_613 : memref<128xi32, #tpu.memory_space<vmem>>) semaphore(%arg11 : memref<!tpu.dma_semaphore, #tpu.memory_space<semaphore_mem>>)
      %dma_start3A_617 = arith.constant 1 : i32
      %dma_start3A_618 = arith.constant 1 : i32
      %dma_start3A_619 = arith.constant 728 : i32
      %dma_start3A_620 = arith.constant 0 : i32
      %dma_start3A_621 = tpu.memref_slice %arg9[%dma_start3A_618, %dma_start3A_619, %dma_start3A_620] : memref<2x800x64xf32, #tpu.memory_space<vmem>> -> memref<1x72x64xf32, #tpu.memory_space<vmem>>
      %dma_start3A_622 = tpu.memref_squeeze %dma_start3A_621 : memref<1x72x64xf32, #tpu.memory_space<vmem>> -> memref<72x64xf32, #tpu.memory_space<vmem>>
      %dma_start3A_623 = arith.constant 728 : i32
      %dma_start3A_624 = tpu.memref_slice %arg7[%dma_start3A_617, %dma_start3A_623] : memref<2x800xi32, #tpu.memory_space<vmem>> -> memref<1x72xi32, #tpu.memory_space<vmem>>
      %dma_start3A_625 = tpu.memref_squeeze %dma_start3A_624 : memref<1x72xi32, #tpu.memory_space<vmem>> -> memref<72xi32, #tpu.memory_space<vmem>>
      %dma_start3A_626 = arith.constant 0 : i32
      %dma_start3A_627 = arith.constant 0 : i32
      %dma_start3A_628 = tpu.memref_slice %arg3[%dma_start3A_626, %dma_start3A_627] : memref<1000000x64xf32, #tpu.memory_space<hbm>> -> memref<1000000x64xf32, #tpu.memory_space<hbm>>
      tpu.enqueue_indirect_dma source(%dma_start3A_628 : memref<1000000x64xf32, #tpu.memory_space<hbm>>) target(%dma_start3A_622 : memref<72x64xf32, #tpu.memory_space<vmem>>) offsets(%dma_start3A_625 : memref<72xi32, #tpu.memory_space<vmem>>) semaphore(%arg11 : memref<!tpu.dma_semaphore, #tpu.memory_space<semaphore_mem>>)
      %mul3A_629 = arith.constant 4 : i32
      %mul3A_630 = arith.muli %mul3A_492, %mul3A_629 : i32
      %add3A_631 = arith.addi %mul3A_2, %mul3A_630 : i32
      %dma_wait3A_632 = arith.constant 0 : i32
      %dma_wait3A_633 = arith.constant 0 : i32
      %dma_wait3A_634 = arith.constant 0 : i32
      %dma_wait3A_635 = tpu.memref_slice %arg9[%dma_wait3A_632, %dma_wait3A_633, %dma_wait3A_634] : memref<2x800x64xf32, #tpu.memory_space<vmem>> -> memref<1x800x64xf32, #tpu.memory_space<vmem>>
      %dma_wait3A_636 = tpu.memref_squeeze %dma_wait3A_635 : memref<1x800x64xf32, #tpu.memory_space<vmem>> -> memref<800x64xf32, #tpu.memory_space<vmem>>
      %dma_wait3A_637 = arith.constant 0 : i32
      %dma_wait3A_638 = arith.constant 0 : i32
      %dma_wait3A_639 = tpu.memref_slice %arg3[%dma_wait3A_637, %dma_wait3A_638] : memref<1000000x64xf32, #tpu.memory_space<hbm>> -> memref<800x64xf32, #tpu.memory_space<hbm>>
      %dma_wait3A_640 = arith.constant 0 : i32
      %dma_wait3A_641 = arith.constant 0 : i32
      %dma_wait3A_642 = tpu.memref_slice %arg9[%dma_wait3A_632, %dma_wait3A_640, %dma_wait3A_641] : memref<2x800x64xf32, #tpu.memory_space<vmem>> -> memref<1x800x64xf32, #tpu.memory_space<vmem>>
      %dma_wait3A_643 = tpu.memref_squeeze %dma_wait3A_642 : memref<1x800x64xf32, #tpu.memory_space<vmem>> -> memref<800x64xf32, #tpu.memory_space<vmem>>
      %dma_wait3A_644 = arith.constant 0 : i32
      %dma_wait3A_645 = arith.constant 0 : i32
      %dma_wait3A_646 = tpu.memref_slice %arg3[%dma_wait3A_644, %dma_wait3A_645] : memref<1000000x64xf32, #tpu.memory_space<hbm>> -> memref<800x64xf32, #tpu.memory_space<hbm>>
      tpu.wait_dma2 semaphore(%arg10 : memref<!tpu.dma_semaphore, #tpu.memory_space<semaphore_mem>>) src(%dma_wait3A_646 : memref<800x64xf32, #tpu.memory_space<hbm>>) dst(%dma_wait3A_643 : memref<800x64xf32, #tpu.memory_space<vmem>>)
      %mul3A_647 = arith.constant 200 : i32
      %mul3A_648 = arith.muli %add3A_631, %mul3A_647 : i32
      %dma_start3A_649 = arith.constant 0 : i32
      %dma_start3A_650 = arith.constant 0 : i32
      %dma_start3A_651 = arith.constant 0 : i32
      %dma_start3A_652 = tpu.memref_slice %arg9[%dma_start3A_649, %dma_start3A_650, %dma_start3A_651] : memref<2x800x64xf32, #tpu.memory_space<vmem>> -> memref<1x800x64xf32, #tpu.memory_space<vmem>>
      %dma_start3A_653 = tpu.memref_squeeze %dma_start3A_652 : memref<1x800x64xf32, #tpu.memory_space<vmem>> -> memref<800x64xf32, #tpu.memory_space<vmem>>
      %dma_start3A_654 = arith.constant 0 : i32
      %dma_start3A_655 = tpu.memref_slice %arg4[%mul3A_648, %dma_start3A_654] : memref<819200x64xf32, #tpu.memory_space<hbm>> -> memref<800x64xf32, #tpu.memory_space<hbm>>
      %dma_start3A_656 = arith.constant 0 : i32
      %dma_start3A_657 = tpu.memref_slice %arg4[%mul3A_648, %dma_start3A_656] : memref<819200x64xf32, #tpu.memory_space<hbm>> -> memref<800x64xf32, #tpu.memory_space<hbm>>
      %dma_start3A_658 = arith.constant 0 : i32
      %dma_start3A_659 = arith.constant 0 : i32
      %dma_start3A_660 = tpu.memref_slice %arg9[%dma_start3A_649, %dma_start3A_658, %dma_start3A_659] : memref<2x800x64xf32, #tpu.memory_space<vmem>> -> memref<1x800x64xf32, #tpu.memory_space<vmem>>
      %dma_start3A_661 = tpu.memref_squeeze %dma_start3A_660 : memref<1x800x64xf32, #tpu.memory_space<vmem>> -> memref<800x64xf32, #tpu.memory_space<vmem>>
      tpu.enqueue_dma source(%dma_start3A_661 : memref<800x64xf32, #tpu.memory_space<vmem>>) target(%dma_start3A_657 : memref<800x64xf32, #tpu.memory_space<hbm>>) target_semaphore(%arg12 : memref<!tpu.dma_semaphore, #tpu.memory_space<semaphore_mem>>)
      %mul3A_662 = arith.constant 200 : i32
      %mul3A_663 = arith.muli %add3A_631, %mul3A_662 : i32
      %dma_start3A_664 = arith.constant 0 : i32
      %dma_start3A_665 = arith.constant 0 : i32
      %dma_start3A_666 = tpu.memref_slice %arg8[%dma_start3A_664, %dma_start3A_665] : memref<2x800xf32, #tpu.memory_space<vmem>> -> memref<1x800xf32, #tpu.memory_space<vmem>>
      %dma_start3A_667 = tpu.memref_squeeze %dma_start3A_666 : memref<1x800xf32, #tpu.memory_space<vmem>> -> memref<800xf32, #tpu.memory_space<vmem>>
      %dma_start3A_668 = tpu.memref_slice %arg5[%mul3A_663] : memref<819200xf32, #tpu.memory_space<hbm>> -> memref<800xf32, #tpu.memory_space<hbm>>
      %dma_start3A_669 = tpu.memref_slice %arg5[%mul3A_663] : memref<819200xf32, #tpu.memory_space<hbm>> -> memref<800xf32, #tpu.memory_space<hbm>>
      %dma_start3A_670 = arith.constant 0 : i32
      %dma_start3A_671 = tpu.memref_slice %arg8[%dma_start3A_664, %dma_start3A_670] : memref<2x800xf32, #tpu.memory_space<vmem>> -> memref<1x800xf32, #tpu.memory_space<vmem>>
      %dma_start3A_672 = tpu.memref_squeeze %dma_start3A_671 : memref<1x800xf32, #tpu.memory_space<vmem>> -> memref<800xf32, #tpu.memory_space<vmem>>
      tpu.enqueue_dma source(%dma_start3A_672 : memref<800xf32, #tpu.memory_space<vmem>>) target(%dma_start3A_669 : memref<800xf32, #tpu.memory_space<hbm>>) target_semaphore(%arg14 : memref<!tpu.dma_semaphore, #tpu.memory_space<semaphore_mem>>)
      %add3A_673 = arith.constant 2 : i32
      %add3A_674 = arith.addi %mul3A_492, %add3A_673 : i32
      %lt3A = arith.constant 32 : i32
      %lt3A_675 = arith.cmpi slt, %add3A_674, %lt3A : i32
      %convert_element_type3A = arith.extui %lt3A_675 : i1 to i32
      %cond3A = arith.constant 0 : i32
      %cond3A_676 = arith.cmpi ne, %convert_element_type3A, %cond3A : i32
      scf.if %cond3A_676 {
        %add3A_723 = arith.constant 2 : i32
        %add3A_724 = arith.addi %mul3A_492, %add3A_723 : i32
        %mul3A_725 = arith.constant 4 : i32
        %mul3A_726 = arith.muli %add3A_724, %mul3A_725 : i32
        %add3A_727 = arith.addi %mul3A_2, %mul3A_726 : i32
        %dma_wait3A_728 = arith.constant 0 : i32
        %dma_wait3A_729 = arith.constant 0 : i32
        %dma_wait3A_730 = tpu.memref_slice %arg8[%dma_wait3A_728, %dma_wait3A_729] : memref<2x800xf32, #tpu.memory_space<vmem>> -> memref<1x800xf32, #tpu.memory_space<vmem>>
        %dma_wait3A_731 = tpu.memref_squeeze %dma_wait3A_730 : memref<1x800xf32, #tpu.memory_space<vmem>> -> memref<800xf32, #tpu.memory_space<vmem>>
        %dma_wait3A_732 = arith.constant 0 : i32
        %dma_wait3A_733 = tpu.memref_slice %arg5[%dma_wait3A_732] : memref<819200xf32, #tpu.memory_space<hbm>> -> memref<800xf32, #tpu.memory_space<hbm>>
        %dma_wait3A_734 = arith.constant 0 : i32
        %dma_wait3A_735 = tpu.memref_slice %arg5[%dma_wait3A_734] : memref<819200xf32, #tpu.memory_space<hbm>> -> memref<800xf32, #tpu.memory_space<hbm>>
        %dma_wait3A_736 = arith.constant 0 : i32
        %dma_wait3A_737 = tpu.memref_slice %arg8[%dma_wait3A_728, %dma_wait3A_736] : memref<2x800xf32, #tpu.memory_space<vmem>> -> memref<1x800xf32, #tpu.memory_space<vmem>>
        %dma_wait3A_738 = tpu.memref_squeeze %dma_wait3A_737 : memref<1x800xf32, #tpu.memory_space<vmem>> -> memref<800xf32, #tpu.memory_space<vmem>>
        tpu.wait_dma2 semaphore(%arg14 : memref<!tpu.dma_semaphore, #tpu.memory_space<semaphore_mem>>) src(%dma_wait3A_738 : memref<800xf32, #tpu.memory_space<vmem>>) dst(%dma_wait3A_735 : memref<800xf32, #tpu.memory_space<hbm>>)
        %mul3A_739 = arith.constant 200 : i32
        %mul3A_740 = arith.muli %add3A_727, %mul3A_739 : i32
        %run_scoped3A_741 = arith.constant 0 : i32
        "tpu.region"() ({
          %run_scoped3A_859 = tpu.sem_alloc : memref<!tpu.dma_semaphore, #tpu.memory_space<semaphore_mem>>
          %dma_start3A_860 = arith.constant 0 : i32
          %dma_start3A_861 = tpu.memref_slice %arg6[%run_scoped3A_741, %dma_start3A_860] : memref<2x800xi32, #tpu.memory_space<vmem>> -> memref<1x800xi32, #tpu.memory_space<vmem>>
          %dma_start3A_862 = tpu.memref_squeeze %dma_start3A_861 : memref<1x800xi32, #tpu.memory_space<vmem>> -> memref<800xi32, #tpu.memory_space<vmem>>
          %dma_start3A_863 = tpu.memref_slice %arg2[%mul3A_740] : memref<819200xi32, #tpu.memory_space<hbm>> -> memref<800xi32, #tpu.memory_space<hbm>>
          %dma_start3A_864 = arith.constant 0 : i32
          %dma_start3A_865 = tpu.memref_slice %arg6[%run_scoped3A_741, %dma_start3A_864] : memref<2x800xi32, #tpu.memory_space<vmem>> -> memref<1x800xi32, #tpu.memory_space<vmem>>
          %dma_start3A_866 = tpu.memref_squeeze %dma_start3A_865 : memref<1x800xi32, #tpu.memory_space<vmem>> -> memref<800xi32, #tpu.memory_space<vmem>>
          %dma_start3A_867 = tpu.memref_slice %arg2[%mul3A_740] : memref<819200xi32, #tpu.memory_space<hbm>> -> memref<800xi32, #tpu.memory_space<hbm>>
          tpu.enqueue_dma source(%dma_start3A_867 : memref<800xi32, #tpu.memory_space<hbm>>) target(%dma_start3A_866 : memref<800xi32, #tpu.memory_space<vmem>>) target_semaphore(%run_scoped3A_859 : memref<!tpu.dma_semaphore, #tpu.memory_space<semaphore_mem>>)
          %dma_wait3A_868 = arith.constant 0 : i32
          %dma_wait3A_869 = tpu.memref_slice %arg6[%run_scoped3A_741, %dma_wait3A_868] : memref<2x800xi32, #tpu.memory_space<vmem>> -> memref<1x800xi32, #tpu.memory_space<vmem>>
          %dma_wait3A_870 = tpu.memref_squeeze %dma_wait3A_869 : memref<1x800xi32, #tpu.memory_space<vmem>> -> memref<800xi32, #tpu.memory_space<vmem>>
          %dma_wait3A_871 = tpu.memref_slice %arg2[%mul3A_740] : memref<819200xi32, #tpu.memory_space<hbm>> -> memref<800xi32, #tpu.memory_space<hbm>>
          %dma_wait3A_872 = arith.constant 0 : i32
          %dma_wait3A_873 = tpu.memref_slice %arg6[%run_scoped3A_741, %dma_wait3A_872] : memref<2x800xi32, #tpu.memory_space<vmem>> -> memref<1x800xi32, #tpu.memory_space<vmem>>
          %dma_wait3A_874 = tpu.memref_squeeze %dma_wait3A_873 : memref<1x800xi32, #tpu.memory_space<vmem>> -> memref<800xi32, #tpu.memory_space<vmem>>
          %dma_wait3A_875 = tpu.memref_slice %arg2[%mul3A_740] : memref<819200xi32, #tpu.memory_space<hbm>> -> memref<800xi32, #tpu.memory_space<hbm>>
          tpu.wait_dma2 semaphore(%run_scoped3A_859 : memref<!tpu.dma_semaphore, #tpu.memory_space<semaphore_mem>>) src(%dma_wait3A_875 : memref<800xi32, #tpu.memory_space<hbm>>) dst(%dma_wait3A_874 : memref<800xi32, #tpu.memory_space<vmem>>)
          tpu.yield
        }) : () -> ()
        %scan3A_742 = arith.constant 0 : i32
        %scan3A_743 = arith.constant 0 : i32
        %scan3A_744 = arith.constant 50 : i32
        %scan3A_745 = arith.addi %scan3A_743, %scan3A_744 : i32
        %scan3A_746 = arith.constant 1 : i32
        scf.for %scan3A_859 = %scan3A_743 to %scan3A_745 step %scan3A_746  : i32 {
          %mul3A_860 = arith.constant 16 : i32
          %mul3A_861 = arith.muli %scan3A_859, %mul3A_860 : i32
          %multiple_of3A = tpu.assume_multiple %mul3A_861, 16 : i32
          %get3A = arith.constant 0 : i32
          %get3A_862 = arith.index_cast %get3A : i32 to index
          %get3A_863 = arith.index_cast %multiple_of3A : i32 to index
          %get3A_864 = tpu.vector_load %arg6[%get3A_862, %get3A_863] {strides = array<i32>} : memref<2x800xi32, #tpu.memory_space<vmem>>, vector<1x16xi32>,
          %get3A_865 = vector.shape_cast %get3A_864 : vector<1x16xi32> to vector<16xi32>
          %ne3A = arith.constant -1 : i32
          %ne3A_866 = vector.broadcast %ne3A : i32 to vector<16xi32>
          %ne3A_867 = arith.cmpi ne, %get3A_865, %ne3A_866 : vector<16xi32>
          %jit3A = arith.constant 0 : i32
          %broadcast_in_dim3A = vector.broadcast %jit3A : i32 to vector<16xi32>
          %select_n3A = arith.select %ne3A_867, %get3A_865, %broadcast_in_dim3A : vector<16xi1>, vector<16xi32>
          %swap3A = arith.constant 0 : i32
          %swap3A_868 = arith.index_cast %swap3A : i32 to index
          %swap3A_869 = arith.index_cast %multiple_of3A : i32 to index
          %swap3A_870 = tpu.vector_load %arg7[%swap3A_868, %swap3A_869] {strides = array<i32>} : memref<2x800xi32, #tpu.memory_space<vmem>>, vector<1x16xi32>,
          %swap3A_871 = vector.shape_cast %swap3A_870 : vector<1x16xi32> to vector<16xi32>
          %swap3A_872 = vector.shape_cast %select_n3A : vector<16xi32> to vector<1x16xi32>
          tpu.vector_store %arg7[%swap3A_868, %swap3A_869], %swap3A_872 {strides = array<i32>} : memref<2x800xi32, #tpu.memory_space<vmem>>, vector<1x16xi32>,
          %jit3A_873 = arith.constant 1.000000e+00 : f32
          %jit3A_874 = arith.constant 0.000000e+00 : f32
          %broadcast_in_dim3A_875 = vector.broadcast %jit3A_873 : f32 to vector<16xf32>
          %broadcast_in_dim3A_876 = vector.broadcast %jit3A_874 : f32 to vector<16xf32>
          %select_n3A_877 = arith.select %ne3A_867, %broadcast_in_dim3A_875, %broadcast_in_dim3A_876 : vector<16xi1>, vector<16xf32>
          %swap3A_878 = arith.constant 0 : i32
          %swap3A_879 = arith.index_cast %swap3A_878 : i32 to index
          %swap3A_880 = arith.index_cast %multiple_of3A : i32 to index
          %swap3A_881 = tpu.vector_load %arg8[%swap3A_879, %swap3A_880] {strides = array<i32>} : memref<2x800xf32, #tpu.memory_space<vmem>>, vector<1x16xf32>,
          %swap3A_882 = vector.shape_cast %swap3A_881 : vector<1x16xf32> to vector<16xf32>
          %swap3A_883 = vector.shape_cast %select_n3A_877 : vector<16xf32> to vector<1x16xf32>
          tpu.vector_store %arg8[%swap3A_879, %swap3A_880], %swap3A_883 {strides = array<i32>} : memref<2x800xf32, #tpu.memory_space<vmem>>, vector<1x16xf32>,
        }
        %scan3A_747 = arith.constant 50 : i32
        %dma_wait3A_748 = arith.constant 0 : i32
        %dma_wait3A_749 = arith.constant 0 : i32
        %dma_wait3A_750 = arith.constant 0 : i32
        %dma_wait3A_751 = tpu.memref_slice %arg9[%dma_wait3A_748, %dma_wait3A_749, %dma_wait3A_750] : memref<2x800x64xf32, #tpu.memory_space<vmem>> -> memref<1x800x64xf32, #tpu.memory_space<vmem>>
        %dma_wait3A_752 = tpu.memref_squeeze %dma_wait3A_751 : memref<1x800x64xf32, #tpu.memory_space<vmem>> -> memref<800x64xf32, #tpu.memory_space<vmem>>
        %dma_wait3A_753 = arith.constant 0 : i32
        %dma_wait3A_754 = arith.constant 0 : i32
        %dma_wait3A_755 = tpu.memref_slice %arg4[%dma_wait3A_753, %dma_wait3A_754] : memref<819200x64xf32, #tpu.memory_space<hbm>> -> memref<800x64xf32, #tpu.memory_space<hbm>>
        %dma_wait3A_756 = arith.constant 0 : i32
        %dma_wait3A_757 = arith.constant 0 : i32
        %dma_wait3A_758 = tpu.memref_slice %arg4[%dma_wait3A_756, %dma_wait3A_757] : memref<819200x64xf32, #tpu.memory_space<hbm>> -> memref<800x64xf32, #tpu.memory_space<hbm>>
        %dma_wait3A_759 = arith.constant 0 : i32
        %dma_wait3A_760 = arith.constant 0 : i32
        %dma_wait3A_761 = tpu.memref_slice %arg9[%dma_wait3A_748, %dma_wait3A_759, %dma_wait3A_760] : memref<2x800x64xf32, #tpu.memory_space<vmem>> -> memref<1x800x64xf32, #tpu.memory_space<vmem>>
        %dma_wait3A_762 = tpu.memref_squeeze %dma_wait3A_761 : memref<1x800x64xf32, #tpu.memory_space<vmem>> -> memref<800x64xf32, #tpu.memory_space<vmem>>
        tpu.wait_dma2 semaphore(%arg12 : memref<!tpu.dma_semaphore, #tpu.memory_space<semaphore_mem>>) src(%dma_wait3A_762 : memref<800x64xf32, #tpu.memory_space<vmem>>) dst(%dma_wait3A_758 : memref<800x64xf32, #tpu.memory_space<hbm>>)
        %dma_start3A_763 = arith.constant 0 : i32
        %dma_start3A_764 = arith.constant 0 : i32
        %dma_start3A_765 = arith.constant 0 : i32
        %dma_start3A_766 = arith.constant 0 : i32
        %dma_start3A_767 = tpu.memref_slice %arg9[%dma_start3A_764, %dma_start3A_765, %dma_start3A_766] : memref<2x800x64xf32, #tpu.memory_space<vmem>> -> memref<1x128x64xf32, #tpu.memory_space<vmem>>
        %dma_start3A_768 = tpu.memref_squeeze %dma_start3A_767 : memref<1x128x64xf32, #tpu.memory_space<vmem>> -> memref<128x64xf32, #tpu.memory_space<vmem>>
        %dma_start3A_769 = arith.constant 0 : i32
        %dma_start3A_770 = tpu.memref_slice %arg7[%dma_start3A_763, %dma_start3A_769] : memref<2x800xi32, #tpu.memory_space<vmem>> -> memref<1x128xi32, #tpu.memory_space<vmem>>
        %dma_start3A_771 = tpu.memref_squeeze %dma_start3A_770 : memref<1x128xi32, #tpu.memory_space<vmem>> -> memref<128xi32, #tpu.memory_space<vmem>>
        %dma_start3A_772 = arith.constant 0 : i32
        %dma_start3A_773 = arith.constant 0 : i32
        %dma_start3A_774 = tpu.memref_slice %arg3[%dma_start3A_772, %dma_start3A_773] : memref<1000000x64xf32, #tpu.memory_space<hbm>> -> memref<1000000x64xf32, #tpu.memory_space<hbm>>
        tpu.enqueue_indirect_dma source(%dma_start3A_774 : memref<1000000x64xf32, #tpu.memory_space<hbm>>) target(%dma_start3A_768 : memref<128x64xf32, #tpu.memory_space<vmem>>) offsets(%dma_start3A_771 : memref<128xi32, #tpu.memory_space<vmem>>) semaphore(%arg10 : memref<!tpu.dma_semaphore, #tpu.memory_space<semaphore_mem>>)
        %dma_start3A_775 = arith.constant 0 : i32
        %dma_start3A_776 = arith.constant 0 : i32
        %dma_start3A_777 = arith.constant 128 : i32
        %dma_start3A_778 = arith.constant 0 : i32
        %dma_start3A_779 = tpu.memref_slice %arg9[%dma_start3A_776, %dma_start3A_777, %dma_start3A_778] : memref<2x800x64xf32, #tpu.memory_space<vmem>> -> memref<1x72x64xf32, #tpu.memory_space<vmem>>
        %dma_start3A_780 = tpu.memref_squeeze %dma_start3A_779 : memref<1x72x64xf32, #tpu.memory_space<vmem>> -> memref<72x64xf32, #tpu.memory_space<vmem>>
        %dma_start3A_781 = arith.constant 128 : i32
        %dma_start3A_782 = tpu.memref_slice %arg7[%dma_start3A_775, %dma_start3A_781] : memref<2x800xi32, #tpu.memory_space<vmem>> -> memref<1x72xi32, #tpu.memory_space<vmem>>
        %dma_start3A_783 = tpu.memref_squeeze %dma_start3A_782 : memref<1x72xi32, #tpu.memory_space<vmem>> -> memref<72xi32, #tpu.memory_space<vmem>>
        %dma_start3A_784 = arith.constant 0 : i32
        %dma_start3A_785 = arith.constant 0 : i32
        %dma_start3A_786 = tpu.memref_slice %arg3[%dma_start3A_784, %dma_start3A_785] : memref<1000000x64xf32, #tpu.memory_space<hbm>> -> memref<1000000x64xf32, #tpu.memory_space<hbm>>
        tpu.enqueue_indirect_dma source(%dma_start3A_786 : memref<1000000x64xf32, #tpu.memory_space<hbm>>) target(%dma_start3A_780 : memref<72x64xf32, #tpu.memory_space<vmem>>) offsets(%dma_start3A_783 : memref<72xi32, #tpu.memory_space<vmem>>) semaphore(%arg10 : memref<!tpu.dma_semaphore, #tpu.memory_space<semaphore_mem>>)
        %dma_start3A_787 = arith.constant 0 : i32
        %dma_start3A_788 = arith.constant 0 : i32
        %dma_start3A_789 = arith.constant 200 : i32
        %dma_start3A_790 = arith.constant 0 : i32
        %dma_start3A_791 = tpu.memref_slice %arg9[%dma_start3A_788, %dma_start3A_789, %dma_start3A_790] : memref<2x800x64xf32, #tpu.memory_space<vmem>> -> memref<1x128x64xf32, #tpu.memory_space<vmem>>
        %dma_start3A_792 = tpu.memref_squeeze %dma_start3A_791 : memref<1x128x64xf32, #tpu.memory_space<vmem>> -> memref<128x64xf32, #tpu.memory_space<vmem>>
        %dma_start3A_793 = arith.constant 200 : i32
        %dma_start3A_794 = tpu.memref_slice %arg7[%dma_start3A_787, %dma_start3A_793] : memref<2x800xi32, #tpu.memory_space<vmem>> -> memref<1x128xi32, #tpu.memory_space<vmem>>
        %dma_start3A_795 = tpu.memref_squeeze %dma_start3A_794 : memref<1x128xi32, #tpu.memory_space<vmem>> -> memref<128xi32, #tpu.memory_space<vmem>>
        %dma_start3A_796 = arith.constant 0 : i32
        %dma_start3A_797 = arith.constant 0 : i32
        %dma_start3A_798 = tpu.memref_slice %arg3[%dma_start3A_796, %dma_start3A_797] : memref<1000000x64xf32, #tpu.memory_space<hbm>> -> memref<1000000x64xf32, #tpu.memory_space<hbm>>
        tpu.enqueue_indirect_dma source(%dma_start3A_798 : memref<1000000x64xf32, #tpu.memory_space<hbm>>) target(%dma_start3A_792 : memref<128x64xf32, #tpu.memory_space<vmem>>) offsets(%dma_start3A_795 : memref<128xi32, #tpu.memory_space<vmem>>) semaphore(%arg10 : memref<!tpu.dma_semaphore, #tpu.memory_space<semaphore_mem>>)
        %dma_start3A_799 = arith.constant 0 : i32
        %dma_start3A_800 = arith.constant 0 : i32
        %dma_start3A_801 = arith.constant 328 : i32
        %dma_start3A_802 = arith.constant 0 : i32
        %dma_start3A_803 = tpu.memref_slice %arg9[%dma_start3A_800, %dma_start3A_801, %dma_start3A_802] : memref<2x800x64xf32, #tpu.memory_space<vmem>> -> memref<1x72x64xf32, #tpu.memory_space<vmem>>
        %dma_start3A_804 = tpu.memref_squeeze %dma_start3A_803 : memref<1x72x64xf32, #tpu.memory_space<vmem>> -> memref<72x64xf32, #tpu.memory_space<vmem>>
        %dma_start3A_805 = arith.constant 328 : i32
        %dma_start3A_806 = tpu.memref_slice %arg7[%dma_start3A_799, %dma_start3A_805] : memref<2x800xi32, #tpu.memory_space<vmem>> -> memref<1x72xi32, #tpu.memory_space<vmem>>
        %dma_start3A_807 = tpu.memref_squeeze %dma_start3A_806 : memref<1x72xi32, #tpu.memory_space<vmem>> -> memref<72xi32, #tpu.memory_space<vmem>>
        %dma_start3A_808 = arith.constant 0 : i32
        %dma_start3A_809 = arith.constant 0 : i32
        %dma_start3A_810 = tpu.memref_slice %arg3[%dma_start3A_808, %dma_start3A_809] : memref<1000000x64xf32, #tpu.memory_space<hbm>> -> memref<1000000x64xf32, #tpu.memory_space<hbm>>
        tpu.enqueue_indirect_dma source(%dma_start3A_810 : memref<1000000x64xf32, #tpu.memory_space<hbm>>) target(%dma_start3A_804 : memref<72x64xf32, #tpu.memory_space<vmem>>) offsets(%dma_start3A_807 : memref<72xi32, #tpu.memory_space<vmem>>) semaphore(%arg10 : memref<!tpu.dma_semaphore, #tpu.memory_space<semaphore_mem>>)
        %dma_start3A_811 = arith.constant 0 : i32
        %dma_start3A_812 = arith.constant 0 : i32
        %dma_start3A_813 = arith.constant 400 : i32
        %dma_start3A_814 = arith.constant 0 : i32
        %dma_start3A_815 = tpu.memref_slice %arg9[%dma_start3A_812, %dma_start3A_813, %dma_start3A_814] : memref<2x800x64xf32, #tpu.memory_space<vmem>> -> memref<1x128x64xf32, #tpu.memory_space<vmem>>
        %dma_start3A_816 = tpu.memref_squeeze %dma_start3A_815 : memref<1x128x64xf32, #tpu.memory_space<vmem>> -> memref<128x64xf32, #tpu.memory_space<vmem>>
        %dma_start3A_817 = arith.constant 400 : i32
        %dma_start3A_818 = tpu.memref_slice %arg7[%dma_start3A_811, %dma_start3A_817] : memref<2x800xi32, #tpu.memory_space<vmem>> -> memref<1x128xi32, #tpu.memory_space<vmem>>
        %dma_start3A_819 = tpu.memref_squeeze %dma_start3A_818 : memref<1x128xi32, #tpu.memory_space<vmem>> -> memref<128xi32, #tpu.memory_space<vmem>>
        %dma_start3A_820 = arith.constant 0 : i32
        %dma_start3A_821 = arith.constant 0 : i32
        %dma_start3A_822 = tpu.memref_slice %arg3[%dma_start3A_820, %dma_start3A_821] : memref<1000000x64xf32, #tpu.memory_space<hbm>> -> memref<1000000x64xf32, #tpu.memory_space<hbm>>
        tpu.enqueue_indirect_dma source(%dma_start3A_822 : memref<1000000x64xf32, #tpu.memory_space<hbm>>) target(%dma_start3A_816 : memref<128x64xf32, #tpu.memory_space<vmem>>) offsets(%dma_start3A_819 : memref<128xi32, #tpu.memory_space<vmem>>) semaphore(%arg10 : memref<!tpu.dma_semaphore, #tpu.memory_space<semaphore_mem>>)
        %dma_start3A_823 = arith.constant 0 : i32
        %dma_start3A_824 = arith.constant 0 : i32
        %dma_start3A_825 = arith.constant 528 : i32
        %dma_start3A_826 = arith.constant 0 : i32
        %dma_start3A_827 = tpu.memref_slice %arg9[%dma_start3A_824, %dma_start3A_825, %dma_start3A_826] : memref<2x800x64xf32, #tpu.memory_space<vmem>> -> memref<1x72x64xf32, #tpu.memory_space<vmem>>
        %dma_start3A_828 = tpu.memref_squeeze %dma_start3A_827 : memref<1x72x64xf32, #tpu.memory_space<vmem>> -> memref<72x64xf32, #tpu.memory_space<vmem>>
        %dma_start3A_829 = arith.constant 528 : i32
        %dma_start3A_830 = tpu.memref_slice %arg7[%dma_start3A_823, %dma_start3A_829] : memref<2x800xi32, #tpu.memory_space<vmem>> -> memref<1x72xi32, #tpu.memory_space<vmem>>
        %dma_start3A_831 = tpu.memref_squeeze %dma_start3A_830 : memref<1x72xi32, #tpu.memory_space<vmem>> -> memref<72xi32, #tpu.memory_space<vmem>>
        %dma_start3A_832 = arith.constant 0 : i32
        %dma_start3A_833 = arith.constant 0 : i32
        %dma_start3A_834 = tpu.memref_slice %arg3[%dma_start3A_832, %dma_start3A_833] : memref<1000000x64xf32, #tpu.memory_space<hbm>> -> memref<1000000x64xf32, #tpu.memory_space<hbm>>
        tpu.enqueue_indirect_dma source(%dma_start3A_834 : memref<1000000x64xf32, #tpu.memory_space<hbm>>) target(%dma_start3A_828 : memref<72x64xf32, #tpu.memory_space<vmem>>) offsets(%dma_start3A_831 : memref<72xi32, #tpu.memory_space<vmem>>) semaphore(%arg10 : memref<!tpu.dma_semaphore, #tpu.memory_space<semaphore_mem>>)
        %dma_start3A_835 = arith.constant 0 : i32
        %dma_start3A_836 = arith.constant 0 : i32
        %dma_start3A_837 = arith.constant 600 : i32
        %dma_start3A_838 = arith.constant 0 : i32
        %dma_start3A_839 = tpu.memref_slice %arg9[%dma_start3A_836, %dma_start3A_837, %dma_start3A_838] : memref<2x800x64xf32, #tpu.memory_space<vmem>> -> memref<1x128x64xf32, #tpu.memory_space<vmem>>
        %dma_start3A_840 = tpu.memref_squeeze %dma_start3A_839 : memref<1x128x64xf32, #tpu.memory_space<vmem>> -> memref<128x64xf32, #tpu.memory_space<vmem>>
        %dma_start3A_841 = arith.constant 600 : i32
        %dma_start3A_842 = tpu.memref_slice %arg7[%dma_start3A_835, %dma_start3A_841] : memref<2x800xi32, #tpu.memory_space<vmem>> -> memref<1x128xi32, #tpu.memory_space<vmem>>
        %dma_start3A_843 = tpu.memref_squeeze %dma_start3A_842 : memref<1x128xi32, #tpu.memory_space<vmem>> -> memref<128xi32, #tpu.memory_space<vmem>>
        %dma_start3A_844 = arith.constant 0 : i32
        %dma_start3A_845 = arith.constant 0 : i32
        %dma_start3A_846 = tpu.memref_slice %arg3[%dma_start3A_844, %dma_start3A_845] : memref<1000000x64xf32, #tpu.memory_space<hbm>> -> memref<1000000x64xf32, #tpu.memory_space<hbm>>
        tpu.enqueue_indirect_dma source(%dma_start3A_846 : memref<1000000x64xf32, #tpu.memory_space<hbm>>) target(%dma_start3A_840 : memref<128x64xf32, #tpu.memory_space<vmem>>) offsets(%dma_start3A_843 : memref<128xi32, #tpu.memory_space<vmem>>) semaphore(%arg10 : memref<!tpu.dma_semaphore, #tpu.memory_space<semaphore_mem>>)
        %dma_start3A_847 = arith.constant 0 : i32
        %dma_start3A_848 = arith.constant 0 : i32
        %dma_start3A_849 = arith.constant 728 : i32
        %dma_start3A_850 = arith.constant 0 : i32
        %dma_start3A_851 = tpu.memref_slice %arg9[%dma_start3A_848, %dma_start3A_849, %dma_start3A_850] : memref<2x800x64xf32, #tpu.memory_space<vmem>> -> memref<1x72x64xf32, #tpu.memory_space<vmem>>
        %dma_start3A_852 = tpu.memref_squeeze %dma_start3A_851 : memref<1x72x64xf32, #tpu.memory_space<vmem>> -> memref<72x64xf32, #tpu.memory_space<vmem>>
        %dma_start3A_853 = arith.constant 728 : i32
        %dma_start3A_854 = tpu.memref_slice %arg7[%dma_start3A_847, %dma_start3A_853] : memref<2x800xi32, #tpu.memory_space<vmem>> -> memref<1x72xi32, #tpu.memory_space<vmem>>
        %dma_start3A_855 = tpu.memref_squeeze %dma_start3A_854 : memref<1x72xi32, #tpu.memory_space<vmem>> -> memref<72xi32, #tpu.memory_space<vmem>>
        %dma_start3A_856 = arith.constant 0 : i32
        %dma_start3A_857 = arith.constant 0 : i32
        %dma_start3A_858 = tpu.memref_slice %arg3[%dma_start3A_856, %dma_start3A_857] : memref<1000000x64xf32, #tpu.memory_space<hbm>> -> memref<1000000x64xf32, #tpu.memory_space<hbm>>
        tpu.enqueue_indirect_dma source(%dma_start3A_858 : memref<1000000x64xf32, #tpu.memory_space<hbm>>) target(%dma_start3A_852 : memref<72x64xf32, #tpu.memory_space<vmem>>) offsets(%dma_start3A_855 : memref<72xi32, #tpu.memory_space<vmem>>) semaphore(%arg10 : memref<!tpu.dma_semaphore, #tpu.memory_space<semaphore_mem>>)
      } else {
      }
      %add3A_677 = arith.constant 1 : i32
      %add3A_678 = arith.addi %mul3A_492, %add3A_677 : i32
      %mul3A_679 = arith.constant 4 : i32
      %mul3A_680 = arith.muli %add3A_678, %mul3A_679 : i32
      %add3A_681 = arith.addi %mul3A_2, %mul3A_680 : i32
      %dma_wait3A_682 = arith.constant 1 : i32
      %dma_wait3A_683 = arith.constant 0 : i32
      %dma_wait3A_684 = arith.constant 0 : i32
      %dma_wait3A_685 = tpu.memref_slice %arg9[%dma_wait3A_682, %dma_wait3A_683, %dma_wait3A_684] : memref<2x800x64xf32, #tpu.memory_space<vmem>> -> memref<1x800x64xf32, #tpu.memory_space<vmem>>
      %dma_wait3A_686 = tpu.memref_squeeze %dma_wait3A_685 : memref<1x800x64xf32, #tpu.memory_space<vmem>> -> memref<800x64xf32, #tpu.memory_space<vmem>>
      %dma_wait3A_687 = arith.constant 0 : i32
      %dma_wait3A_688 = arith.constant 0 : i32
      %dma_wait3A_689 = tpu.memref_slice %arg3[%dma_wait3A_687, %dma_wait3A_688] : memref<1000000x64xf32, #tpu.memory_space<hbm>> -> memref<800x64xf32, #tpu.memory_space<hbm>>
      %dma_wait3A_690 = arith.constant 0 : i32
      %dma_wait3A_691 = arith.constant 0 : i32
      %dma_wait3A_692 = tpu.memref_slice %arg9[%dma_wait3A_682, %dma_wait3A_690, %dma_wait3A_691] : memref<2x800x64xf32, #tpu.memory_space<vmem>> -> memref<1x800x64xf32, #tpu.memory_space<vmem>>
      %dma_wait3A_693 = tpu.memref_squeeze %dma_wait3A_692 : memref<1x800x64xf32, #tpu.memory_space<vmem>> -> memref<800x64xf32, #tpu.memory_space<vmem>>
      %dma_wait3A_694 = arith.constant 0 : i32
      %dma_wait3A_695 = arith.constant 0 : i32
      %dma_wait3A_696 = tpu.memref_slice %arg3[%dma_wait3A_694, %dma_wait3A_695] : memref<1000000x64xf32, #tpu.memory_space<hbm>> -> memref<800x64xf32, #tpu.memory_space<hbm>>
      tpu.wait_dma2 semaphore(%arg11 : memref<!tpu.dma_semaphore, #tpu.memory_space<semaphore_mem>>) src(%dma_wait3A_696 : memref<800x64xf32, #tpu.memory_space<hbm>>) dst(%dma_wait3A_693 : memref<800x64xf32, #tpu.memory_space<vmem>>)
      %mul3A_697 = arith.constant 200 : i32
      %mul3A_698 = arith.muli %add3A_681, %mul3A_697 : i32
      %dma_start3A_699 = arith.constant 1 : i32
      %dma_start3A_700 = arith.constant 0 : i32
      %dma_start3A_701 = arith.constant 0 : i32
      %dma_start3A_702 = tpu.memref_slice %arg9[%dma_start3A_699, %dma_start3A_700, %dma_start3A_701] : memref<2x800x64xf32, #tpu.memory_space<vmem>> -> memref<1x800x64xf32, #tpu.memory_space<vmem>>
      %dma_start3A_703 = tpu.memref_squeeze %dma_start3A_702 : memref<1x800x64xf32, #tpu.memory_space<vmem>> -> memref<800x64xf32, #tpu.memory_space<vmem>>
      %dma_start3A_704 = arith.constant 0 : i32
      %dma_start3A_705 = tpu.memref_slice %arg4[%mul3A_698, %dma_start3A_704] : memref<819200x64xf32, #tpu.memory_space<hbm>> -> memref<800x64xf32, #tpu.memory_space<hbm>>
      %dma_start3A_706 = arith.constant 0 : i32
      %dma_start3A_707 = tpu.memref_slice %arg4[%mul3A_698, %dma_start3A_706] : memref<819200x64xf32, #tpu.memory_space<hbm>> -> memref<800x64xf32, #tpu.memory_space<hbm>>
      %dma_start3A_708 = arith.constant 0 : i32
      %dma_start3A_709 = arith.constant 0 : i32
      %dma_start3A_710 = tpu.memref_slice %arg9[%dma_start3A_699, %dma_start3A_708, %dma_start3A_709] : memref<2x800x64xf32, #tpu.memory_space<vmem>> -> memref<1x800x64xf32, #tpu.memory_space<vmem>>
      %dma_start3A_711 = tpu.memref_squeeze %dma_start3A_710 : memref<1x800x64xf32, #tpu.memory_space<vmem>> -> memref<800x64xf32, #tpu.memory_space<vmem>>
      tpu.enqueue_dma source(%dma_start3A_711 : memref<800x64xf32, #tpu.memory_space<vmem>>) target(%dma_start3A_707 : memref<800x64xf32, #tpu.memory_space<hbm>>) target_semaphore(%arg13 : memref<!tpu.dma_semaphore, #tpu.memory_space<semaphore_mem>>)
      %mul3A_712 = arith.constant 200 : i32
      %mul3A_713 = arith.muli %add3A_681, %mul3A_712 : i32
      %dma_start3A_714 = arith.constant 1 : i32
      %dma_start3A_715 = arith.constant 0 : i32
      %dma_start3A_716 = tpu.memref_slice %arg8[%dma_start3A_714, %dma_start3A_715] : memref<2x800xf32, #tpu.memory_space<vmem>> -> memref<1x800xf32, #tpu.memory_space<vmem>>
      %dma_start3A_717 = tpu.memref_squeeze %dma_start3A_716 : memref<1x800xf32, #tpu.memory_space<vmem>> -> memref<800xf32, #tpu.memory_space<vmem>>
      %dma_start3A_718 = tpu.memref_slice %arg5[%mul3A_713] : memref<819200xf32, #tpu.memory_space<hbm>> -> memref<800xf32, #tpu.memory_space<hbm>>
      %dma_start3A_719 = tpu.memref_slice %arg5[%mul3A_713] : memref<819200xf32, #tpu.memory_space<hbm>> -> memref<800xf32, #tpu.memory_space<hbm>>
      %dma_start3A_720 = arith.constant 0 : i32
      %dma_start3A_721 = tpu.memref_slice %arg8[%dma_start3A_714, %dma_start3A_720] : memref<2x800xf32, #tpu.memory_space<vmem>> -> memref<1x800xf32, #tpu.memory_space<vmem>>
      %dma_start3A_722 = tpu.memref_squeeze %dma_start3A_721 : memref<1x800xf32, #tpu.memory_space<vmem>> -> memref<800xf32, #tpu.memory_space<vmem>>
      tpu.enqueue_dma source(%dma_start3A_722 : memref<800xf32, #tpu.memory_space<vmem>>) target(%dma_start3A_719 : memref<800xf32, #tpu.memory_space<hbm>>) target_semaphore(%arg15 : memref<!tpu.dma_semaphore, #tpu.memory_space<semaphore_mem>>)
    }
    %scan3A_437 = arith.constant 15 : i32
    %dma_wait3A_438 = arith.constant 0 : i32
    %dma_wait3A_439 = arith.constant 0 : i32
    %dma_wait3A_440 = arith.constant 0 : i32
    %dma_wait3A_441 = tpu.memref_slice %arg9[%dma_wait3A_438, %dma_wait3A_439, %dma_wait3A_440] : memref<2x800x64xf32, #tpu.memory_space<vmem>> -> memref<1x800x64xf32, #tpu.memory_space<vmem>>
    %dma_wait3A_442 = tpu.memref_squeeze %dma_wait3A_441 : memref<1x800x64xf32, #tpu.memory_space<vmem>> -> memref<800x64xf32, #tpu.memory_space<vmem>>
    %dma_wait3A_443 = arith.constant 0 : i32
    %dma_wait3A_444 = arith.constant 0 : i32
    %dma_wait3A_445 = tpu.memref_slice %arg4[%dma_wait3A_443, %dma_wait3A_444] : memref<819200x64xf32, #tpu.memory_space<hbm>> -> memref<800x64xf32, #tpu.memory_space<hbm>>
    %dma_wait3A_446 = arith.constant 0 : i32
    %dma_wait3A_447 = arith.constant 0 : i32
    %dma_wait3A_448 = tpu.memref_slice %arg4[%dma_wait3A_446, %dma_wait3A_447] : memref<819200x64xf32, #tpu.memory_space<hbm>> -> memref<800x64xf32, #tpu.memory_space<hbm>>
    %dma_wait3A_449 = arith.constant 0 : i32
    %dma_wait3A_450 = arith.constant 0 : i32
    %dma_wait3A_451 = tpu.memref_slice %arg9[%dma_wait3A_438, %dma_wait3A_449, %dma_wait3A_450] : memref<2x800x64xf32, #tpu.memory_space<vmem>> -> memref<1x800x64xf32, #tpu.memory_space<vmem>>
    %dma_wait3A_452 = tpu.memref_squeeze %dma_wait3A_451 : memref<1x800x64xf32, #tpu.memory_space<vmem>> -> memref<800x64xf32, #tpu.memory_space<vmem>>
    tpu.wait_dma2 semaphore(%arg12 : memref<!tpu.dma_semaphore, #tpu.memory_space<semaphore_mem>>) src(%dma_wait3A_452 : memref<800x64xf32, #tpu.memory_space<vmem>>) dst(%dma_wait3A_448 : memref<800x64xf32, #tpu.memory_space<hbm>>)
    %dma_wait3A_453 = arith.constant 0 : i32
    %dma_wait3A_454 = arith.constant 0 : i32
    %dma_wait3A_455 = tpu.memref_slice %arg8[%dma_wait3A_453, %dma_wait3A_454] : memref<2x800xf32, #tpu.memory_space<vmem>> -> memref<1x800xf32, #tpu.memory_space<vmem>>
    %dma_wait3A_456 = tpu.memref_squeeze %dma_wait3A_455 : memref<1x800xf32, #tpu.memory_space<vmem>> -> memref<800xf32, #tpu.memory_space<vmem>>
    %dma_wait3A_457 = arith.constant 0 : i32
    %dma_wait3A_458 = tpu.memref_slice %arg5[%dma_wait3A_457] : memref<819200xf32, #tpu.memory_space<hbm>> -> memref<800xf32, #tpu.memory_space<hbm>>
    %dma_wait3A_459 = arith.constant 0 : i32
    %dma_wait3A_460 = tpu.memref_slice %arg5[%dma_wait3A_459] : memref<819200xf32, #tpu.memory_space<hbm>> -> memref<800xf32, #tpu.memory_space<hbm>>
    %dma_wait3A_461 = arith.constant 0 : i32
    %dma_wait3A_462 = tpu.memref_slice %arg8[%dma_wait3A_453, %dma_wait3A_461] : memref<2x800xf32, #tpu.memory_space<vmem>> -> memref<1x800xf32, #tpu.memory_space<vmem>>
    %dma_wait3A_463 = tpu.memref_squeeze %dma_wait3A_462 : memref<1x800xf32, #tpu.memory_space<vmem>> -> memref<800xf32, #tpu.memory_space<vmem>>
    tpu.wait_dma2 semaphore(%arg14 : memref<!tpu.dma_semaphore, #tpu.memory_space<semaphore_mem>>) src(%dma_wait3A_463 : memref<800xf32, #tpu.memory_space<vmem>>) dst(%dma_wait3A_460 : memref<800xf32, #tpu.memory_space<hbm>>)
    %dma_wait3A_464 = arith.constant 1 : i32
    %dma_wait3A_465 = arith.constant 0 : i32
    %dma_wait3A_466 = arith.constant 0 : i32
    %dma_wait3A_467 = tpu.memref_slice %arg9[%dma_wait3A_464, %dma_wait3A_465, %dma_wait3A_466] : memref<2x800x64xf32, #tpu.memory_space<vmem>> -> memref<1x800x64xf32, #tpu.memory_space<vmem>>
    %dma_wait3A_468 = tpu.memref_squeeze %dma_wait3A_467 : memref<1x800x64xf32, #tpu.memory_space<vmem>> -> memref<800x64xf32, #tpu.memory_space<vmem>>
    %dma_wait3A_469 = arith.constant 0 : i32
    %dma_wait3A_470 = arith.constant 0 : i32
    %dma_wait3A_471 = tpu.memref_slice %arg4[%dma_wait3A_469, %dma_wait3A_470] : memref<819200x64xf32, #tpu.memory_space<hbm>> -> memref<800x64xf32, #tpu.memory_space<hbm>>
    %dma_wait3A_472 = arith.constant 0 : i32
    %dma_wait3A_473 = arith.constant 0 : i32
    %dma_wait3A_474 = tpu.memref_slice %arg4[%dma_wait3A_472, %dma_wait3A_473] : memref<819200x64xf32, #tpu.memory_space<hbm>> -> memref<800x64xf32, #tpu.memory_space<hbm>>
    %dma_wait3A_475 = arith.constant 0 : i32
    %dma_wait3A_476 = arith.constant 0 : i32
    %dma_wait3A_477 = tpu.memref_slice %arg9[%dma_wait3A_464, %dma_wait3A_475, %dma_wait3A_476] : memref<2x800x64xf32, #tpu.memory_space<vmem>> -> memref<1x800x64xf32, #tpu.memory_space<vmem>>
    %dma_wait3A_478 = tpu.memref_squeeze %dma_wait3A_477 : memref<1x800x64xf32, #tpu.memory_space<vmem>> -> memref<800x64xf32, #tpu.memory_space<vmem>>
    tpu.wait_dma2 semaphore(%arg13 : memref<!tpu.dma_semaphore, #tpu.memory_space<semaphore_mem>>) src(%dma_wait3A_478 : memref<800x64xf32, #tpu.memory_space<vmem>>) dst(%dma_wait3A_474 : memref<800x64xf32, #tpu.memory_space<hbm>>)
    %dma_wait3A_479 = arith.constant 1 : i32
    %dma_wait3A_480 = arith.constant 0 : i32
    %dma_wait3A_481 = tpu.memref_slice %arg8[%dma_wait3A_479, %dma_wait3A_480] : memref<2x800xf32, #tpu.memory_space<vmem>> -> memref<1x800xf32, #tpu.memory_space<vmem>>
    %dma_wait3A_482 = tpu.memref_squeeze %dma_wait3A_481 : memref<1x800xf32, #tpu.memory_space<vmem>> -> memref<800xf32, #tpu.memory_space<vmem>>
    %dma_wait3A_483 = arith.constant 0 : i32
    %dma_wait3A_484 = tpu.memref_slice %arg5[%dma_wait3A_483] : memref<819200xf32, #tpu.memory_space<hbm>> -> memref<800xf32, #tpu.memory_space<hbm>>
    %dma_wait3A_485 = arith.constant 0 : i32
    %dma_wait3A_486 = tpu.memref_slice %arg5[%dma_wait3A_485] : memref<819200xf32, #tpu.memory_space<hbm>> -> memref<800xf32, #tpu.memory_space<hbm>>
    %dma_wait3A_487 = arith.constant 0 : i32
    %dma_wait3A_488 = tpu.memref_slice %arg8[%dma_wait3A_479, %dma_wait3A_487] : memref<2x800xf32, #tpu.memory_space<vmem>> -> memref<1x800xf32, #tpu.memory_space<vmem>>
    %dma_wait3A_489 = tpu.memref_squeeze %dma_wait3A_488 : memref<1x800xf32, #tpu.memory_space<vmem>> -> memref<800xf32, #tpu.memory_space<vmem>>
    tpu.wait_dma2 semaphore(%arg15 : memref<!tpu.dma_semaphore, #tpu.memory_space<semaphore_mem>>) src(%dma_wait3A_489 : memref<800xf32, #tpu.memory_space<vmem>>) dst(%dma_wait3A_486 : memref<800xf32, #tpu.memory_space<hbm>>)
    return
  }
}

</mosaic_0001>

<sc_bundles>
// kernel: kernel.3.cloned.1.call-start
scs
__scs_entry_jumppad:
0x0: {  	(pc) =	sbr.rel $0x88, $3  }
0x1: {  	(tag) =	ssettag $0x0;
	lr =	simm.s32 $0x1  }
0x2: {  	[smem:$0x3F9F] =	sst lr;
	_ =	strace $0xD0000000  }
0x3: {  	_ = 	snop  }
0x4: {  	_ = 	snop  }
0x5: {  	_ = 	snop  }
0x6: {  	_ = 	snop  }
0x7: {  	_ = 	snop  }
__scs_overlays_trampoline_lowered:
0x8: {  	[smem:$0x3FAE] =	sst s0  }
0x9: {  	[smem:$0x3FAF] =	sst s1  }
0xa: {  	[smem:$0x3FB0] =	sst s2  }
0xb: {  	[smem:$0x3FB1] =	sst s3  }
0xc: {  	[smem:$0x3FB2] =	sst s4  }
0xd: {  	[smem:$0x3FB3] =	sst s5  }
0xe: {  	[smem:$0x3FB4] =	sst s6  }
0xf: {  	[smem:$0x3FB5] =	sst s7  }
0x10: {  	[smem:$0x3FB6] =	sst s8  }
0x11: {  	[smem:$0x3FB7] =	sst s9;
	s0 =	simm.s32 @!p0 $0x0  }
0x12: {  	s1 =	sld [smem:$0x3F9D];
	s0 =	simm.s32 @p0 $0x1  }
0x13: {  	[smem:$0x3FB8] =	sst s0;
	s0 =	simm.s32 @!p1 $0x0  }
0x14: {  	s2 =	sld [smem:$0x3F9C];
	s0 =	simm.s32 @p1 $0x1  }
0x15: {  	[smem:$0x3FB9] =	sst s0;
	s0 =	simm.s32 @!p2 $0x0  }
0x16: {  	s3 =	sld [smem:$0x3FDB];
	s0 =	simm.s32 @p2 $0x1  }
0x17: {  	s4 =	simm.s32 $0x1BF5;
	[smem:$0x3FBB] =	sst s0  }
0x18: {  	s0 =	sld [smem:$0x3F9E];
	_ =	swait.ge [sflag:s4], $0x0  }
0x19: {  	s7 =	sld [smem:$0x3F9F]  }
0x1a: {  	s8 =	sadd.s32 $0xFFFFE003, lr  }
0x1b: {  	s9 =	sadd.s32 $0xFFFFFEF7, lr;
	s5 =	simm.s32 $0xFFFFFFFF;
	p2 =	slt.u32 s8, $0xFFFFF086  }
0x1c: {  	p1 =	slt.u32 s9, $0xF7A;
	s5 =	simm.s32 @!p2 $0x0  }
0x1d: {  	s5 =	simm.s32 @p1 $0x1;
	p0 =	seq.s32 s7, s2  }
0x1e: {  	s7 =	smul.u32 @!p0 $0xF7A, s2;
	p2 =	seq.s32 @!p0 s5, $0x0  }
0x1f: {  	s9 =	smul.u32 $0xF7A, s1;
	s8 =	simm.s32 @!p0 $0x1BF5;
	p2 =	por !p2, p0  }
0x20: {  	[sflag:s8] =	ssyncset.s32 @!p0 $0xFFFFF086;
	s6 =	sadd.s32 @!p0 s3, s7;
	s7 =	simm.s32 @!p0 $0x108  }
0x21: {  	s3 =	sadd.s32 s3, s9;
	s6 =	sadd.s32 @!p0 $0x88, s6;
	s7 =	simm.s32 @p2 $0x1082  }
0x22: {  	[simem:s7], [sflag:s8] =	dma.local @!p0 [hbm:s6], $0xF7A  }
0x23: {  	s9 =	sor.u32 $0xD0000000, s2;
	s6 =	simm.s32 $0x108;
	_ =	swait.ge @!p0 [sflag:s8], $0x0  }
0x24: {  	s3 =	sadd.s32 $0x88, s3;
	s6 =	simm.s32 @!p1 $0x1082;
	[sflag:s4] =	ssyncset.s32 $0xFFFFF086  }
0x25: {  	[simem:s6], [sflag:s4] =	dma.local [hbm:s3], $0xF7A  }
0x26: {  	[smem:$0x3F9F] =	sst s1;
	(tag) =	ssettag s2;
	_ =	strace s9  }
0x27: {  	s1 =	sld [smem:$0x3FAF]  }
0x28: {  	s2 =	sld [smem:$0x3FB0]  }
0x29: {  	s4 =	sld [smem:$0x3FB2]  }
0x2a: {  	p0 =	seq.s32 s5, $0x0;
	s5 =	sld [smem:$0x3FB3]  }
0x2b: {  	s6 =	sld [smem:$0x3FB4]  }
0x2c: {  	s7 =	sld [smem:$0x3FB5]  }
0x2d: {  	s3 =	simm.s32 $0x108;
	s8 =	sld [smem:$0x3FB6]  }
0x2e: {  	s3 =	simm.s32 @!p0 $0x1082;
	s9 =	sld [smem:$0x3FB7]  }
0x2f: {  	lr =	sadd.s32 s0, s3;
	s0 =	sld [smem:$0x3FAE]  }
0x30: {  	s3 =	sld [smem:$0x3FB1]  }
0x31: {  	[smem:$0x3FBA] =	sst s10  }
0x32: {  	s10 =	sld [smem:$0x3FB8];
	_ =	sdelay $0x3  }
0x33: {  	p0 =	seq.s32 s10, $0x1;
	s10 =	sld [smem:$0x3FBA];
	_ =	sdelay $0x3  }
0x34: {  	[smem:$0x3FBA] =	sst s10  }
0x35: {  	s10 =	sld [smem:$0x3FB9];
	_ =	sdelay $0x3  }
0x36: {  	p1 =	seq.s32 s10, $0x1;
	s10 =	sld [smem:$0x3FBA];
	_ =	sdelay $0x3  }
0x37: {  	[smem:$0x3FBA] =	sst s10  }
0x38: {  	s10 =	sld [smem:$0x3FBB]  }
0x39: {  	_ = 	snop;
	(pc) =	sbr.ind lr, $3  }
0x3a: {  	_ = 	snop  }
0x3b: {  	_ = 	snop  }
0x3c: {  	p2 =	seq.s32 s10, $0x1;
	s10 =	sld [smem:$0x3FBA]  }
0x3d: {  	_ =	shalt  }
0x3e: {  	_ =	shalt  }
0x3f: {  	_ =	shalt  }
0x40: {  	_ =	shalt  }
0x41: {  	_ =	shalt  }
0x42: {  	_ =	shalt  }
0x43: {  	_ =	shalt  }
0x44: {  	_ =	shalt  }
0x45: {  	_ =	shalt  }
0x46: {  	_ =	shalt  }
0x47: {  	_ =	shalt  }
0x48: {  	_ =	shalt  }
0x49: {  	_ =	shalt  }
0x4a: {  	_ =	shalt  }
0x4b: {  	_ =	shalt  }
0x4c: {  	_ =	shalt  }
0x4d: {  	_ =	shalt  }
0x4e: {  	_ =	shalt  }
0x4f: {  	_ =	shalt  }
0x50: {  	_ =	shalt  }
0x51: {  	_ =	shalt  }
0x52: {  	_ =	shalt  }
0x53: {  	_ =	shalt  }
0x54: {  	_ =	shalt  }
0x55: {  	_ =	shalt  }
0x56: {  	_ =	shalt  }
0x57: {  	_ =	shalt  }
0x58: {  	_ =	shalt  }
0x59: {  	_ =	shalt  }
0x5a: {  	_ =	shalt  }
0x5b: {  	_ =	shalt  }
0x5c: {  	_ =	shalt  }
0x5d: {  	_ =	shalt  }
0x5e: {  	_ =	shalt  }
0x5f: {  	_ =	shalt  }
0x60: {  	_ =	shalt  }
0x61: {  	_ =	shalt  }
0x62: {  	_ =	shalt  }
0x63: {  	_ =	shalt  }
0x64: {  	_ =	shalt  }
0x65: {  	_ =	shalt  }
0x66: {  	_ =	shalt  }
0x67: {  	_ =	shalt  }
0x68: {  	_ =	shalt  }
0x69: {  	_ =	shalt  }
0x6a: {  	_ =	shalt  }
0x6b: {  	_ =	shalt  }
0x6c: {  	_ =	shalt  }
0x6d: {  	_ =	shalt  }
0x6e: {  	_ =	shalt  }
0x6f: {  	_ =	shalt  }
0x70: {  	_ =	shalt  }
0x71: {  	_ =	shalt  }
0x72: {  	_ =	shalt  }
0x73: {  	_ =	shalt  }
0x74: {  	_ =	shalt  }
0x75: {  	_ =	shalt  }
0x76: {  	_ =	shalt  }
0x77: {  	_ =	shalt  }
0x78: {  	_ =	shalt  }
0x79: {  	_ =	shalt  }
0x7a: {  	_ =	shalt  }
0x7b: {  	_ =	shalt  }
0x7c: {  	_ =	shalt  }
0x7d: {  	_ =	shalt  }
0x7e: {  	_ =	shalt  }
0x7f: {  	_ =	shalt  }
0x80: {  	_ =	shalt  }
0x81: {  	_ =	shalt  }
0x82: {  	_ =	shalt  }
0x83: {  	_ =	shalt  }
0x84: {  	_ =	shalt  }
0x85: {  	_ =	shalt  }
0x86: {  	_ =	shalt  }
0x87: {  	_ =	shalt  }
.Lfunc_end0:
.L_simem_size_0:
called_computation.1_lowered:
.L_overlay_start_0:
0x88: {  	s2 =	sld [smem:$0x3FD9]  }
0x89: {  	s3 =	sld [smem:$0x3FFE];
	_ =	sdelay $0x1  }
0x8a: {  	s1 =	srdreg.scid  }
0x8b: {  	s0 =	sand.u32 $0x1, s1  }
0x8c: {  	s17 =	sshll.u32 s0, $0xA;
	s2 =	sadd.s32 s3, s2  }
0x8d: {  	s2 =	sadd.s32 s2, s17  }
0x8e: {  	[smem:$0x3FC6] =	sst s2  }
0x8f: {  	_ = 	snop  }
0x90: {  	s2 =	sld [smem:$0x3FD0];
	(tm) =	ssettm $0x1  }
0x91: {  	s18 =	sld [smem:$0x3FFB];
	_ =	sdelay $0x3  }
0x92: {  	_ =	strace s18  }
0x93: {  	s3 =	sld [smem:$0x3FFC];
	_ =	sdelay $0x3  }
0x94: {  	_ =	strace s3  }
0x95: {  	s3 =	sld [smem:$0x3FFD];
	_ =	sdelay $0x3  }
0x96: {  	_ =	strace s3  }
0x97: {  	_ =	strace $0x8FFFFFFF  }
0x98: {  	s19 =	sld [smem:$0x3FDB];
	_ =	sdelay $0x1  }
0x99: {  	s4 =	simm.s32 $_scs_section_size  }
0x9a: {  	s5 =	simm.s32 $_size__tile_overlayer_lowered;
	s6 =	simm.s32 $_tile_overlayer_lowered  }
0x9b: {  	s22 =	simm.s32 $0x1BFF;
	s21 =	sshll.u32 s6, $0x1;
	s3 =	sadd.s32 s4, s19  }
0x9c: {  	s7 =	simm.s32 $0x0;
	s20 =	sshll.u32 s5, $0x1;
	s5 =	sadd.s32 s21, s3  }
0x9d: {  	[timem:s7], [sflag:s22] =	dma.local [hbm:s5], s20  }
0x9e: {  	_ =	swait.ge [sflag:s22], s20  }
0x9f: {  	s4 =	ssub.s32 $0x0, s20;
	[sflag:s22] =	ssyncset.done $0x0  }
0xa0: {  	[sflag:s22] =	ssyncadd.s32 s4;
	_ =	sdelay $0x1  }
0xa1: {  	s23 =	simm.s32 $0x1B8B  }
0xa2: {  	_ =	swait.ge [sflag:s23], $0x1  }
0xa3: {  	[sflag:s23] =	ssyncset.done $0x0  }
0xa4: {  	s25 =	simm.s32 $0x1B8E;
	s24 =	sld [smem:$0x3FFE];
	[sflag:s23] =	ssyncadd.s32 $0xFFFFFFFF  }
0xa5: {  	s26 =	simm.s32 $execute0_lowered;
	[smem:$0x3FD2] =	sst s25  }
0xa6: {  	s5 =	sshll.u32 s26, $0x1;
	_ =	strace $0x80000046;
	[dreg:$0x1] =	wrdreg $0xFFFFFFFF  }
0xa7: {  	s28 =	simm.s32 $_size_execute0_lowered;
	s3 =	sadd.s32 s3, s5;
	[dreg:$0x0] =	wrdreg $0x0  }
0xa8: {  	s5 =	sshll.u32 s28, $0x1;
	[dreg:$0x2] =	wrdreg s3  }
0xa9: {  	[dreg:$0x3] =	wrdreg s5  }
0xaa: {  	[dreg:$0x4] =	wrdreg $0xC0  }
0xab: {  	_ =	task [dreg:s7], $0x5FFFF  }
0xac: {  	[dreg:$0x1] =	wrdreg $0xFFFFFFFF  }
0xad: {  	[dreg:$0x0] =	wrdreg $0x60  }
0xae: {  	[dreg:$0x2] =	wrdreg s24  }
0xaf: {  	[dreg:$0x3] =	wrdreg s2  }
0xb0: {  	[dreg:$0x4] =	wrdreg $0x9  }
0xb1: {  	_ =	task.clear_ibuf [dreg:s7], $0x5FFFF;
	_ =	strace $0x90000046  }
0xb2: {  	s29 =	simm.s32 $0x9;
	_ =	strace $0x80000048  }
0xb3: {  	_ =	swait.ge [sflag:s29], $0x1  }
0xb4: {  	[sflag:s29] =	ssyncadd.s32 $0xFFFFFFFF  }
0xb5: {  	_ =	strace $0x90000048  }
0xb6: {  	_ =	sfence  }
0xb7: {  	s30 =	sld [smem:$0x0];
	_ =	sdelay $0x2  }
0xb8: {  	s31 =	sshll.u32 s1, $0xD;
	s1 =	sshrl.u32 s1, $0x2  }
0xb9: {  	s3 =	sand.u32 $0x4000, s31;
	s1 =	sadd.s32 s1, s30  }
0xba: {  	s0 =	sor.u32 s3, s0;
	s1 =	sshll.u32 s1, $0x11  }
0xbb: {  	s0 =	sor.u32 s1, s0  }
0xbc: {  	s0 =	sadd.s32 $0x8F2B, s0  }
0xbd: {  	[sflag:s0] =	ssyncadd.remote.s32 $0x1  }
0xbe: {  	_ =	sfence.sel $0xFFFF  }
0xbf: {  	[dreg:$0x0] =	wrdreg $0xFFFFFFFF;
	(pc) =	sbr.abs _section_cstart, $3  }
0xc0: {  	[dreg:$0x1] =	wrdreg $0xFFFFFFFF  }
0xc1: {  	_ =	task.clear_ibuf [dreg:s7], $0x2FFFF;
	_ =	strace $0x9FFFFFFF  }
0xc2: {  	(tm) =	ssettm $0x7FFFFFFF  }
0xc3: {  	_ =	shalt  }
tec
execute0_lowered:
.L_overlay_start_1:
0x0: {  	(tag) =	ssettag $0x1  }
0x1: {  	s0 =	rddreg [dreg:$0x0]  }
0x2: {  	s2 =	rddreg [dreg:$0x1]  }
0x3: {  	s3 =	simm.s32 $0x0;
	s1 =	srdreg.scid;
	s4 =	stileid.u32  }
0x4: {  	s17 =	simm.s32 $0x7;
	s18 =	simm.s32 $0x80;
	s13 =	simm.s32 $0xDAC0  }
0x5: {  	s30 =	simm.s32 $0xBB8;
	s31 =	simm.s32 $0x170C0;
	s15 =	simm.s32 $0x3  }
0x6: {  	s14 =	simm.s32 $0x6;
	s16 =	simm.s32 $0x4;
	[smem:$0x7FF] =	sst s3  }
0x7: {  	s1 =	sand.u32 $0x1, s1;
	s4 =	sshll.u32 s4, $0x1;
	s5 =	sadd.s32 $0x1A000, s0  }
0x8: {  	s6 =	sadd.s32 $0x65A000, s0;
	_ =	strace $0x80000047;
	s8 =	sor.u32 s1, s4  }
0x9: {  	s4 =	sadd.s32 $0x1000, s0;
	s1 =	ssub.s32 $0x2, s1;
	s9 =	smul.u32 $0x6400, s8  }
0xa: {  	s20 =	sshrl.u32 s1, $0x1;
	s21 =	smul.u32 $0xC80, s8;
	s7 =	sshll.u32 s8, $0x7  }
0xb: {  	s8 =	smul.u32 $0x32000, s8;
	s0 =	ssub.s32 s1, s20;
	s29 =	sor.u32 $0x8, s7  }
0xc: {  	s20 =	simm.s32 $0x12C0;
	s10 =	sor.u32 $0x320, s9;
	s12 =	sadd.s32 s4, s21  }
0xd: {  	s9 =	sshrl.u32 s9, $0x3;
	s8 =	sadd.s32 s5, s8;
	[dreg:$0xa] =	wrdreg s29  }
0xe: {  	s1 =	sadd.s32 s6, s21;
	s0 =	smax.u32 s0, $0x1;
	[dreg:$0x3] =	wrdreg s12  }
0xf: {  	s21 =	simm.s32 $0x48;
	s11 =	sshrl.u32 s10, $0x3;
	[dreg:$0x5] =	wrdreg s8  }
0x10: {  	s23 =	sadd.s32 s4, s9;
	s24 =	sshll.u32 s10, $0x3;
	[dreg:$0x6] =	wrdreg s1  }
0x11: {  	[dreg:$0xb] =	wrdreg s0;
	s0 =	simm.s32 $0xC38;
	s1 =	simm.s32 $0x190C0  }
.Ltmp0:
0x12: {  	s8 =	simm.s32 $0x1;
	s22 =	sadd.s32 s4, s11;
	(pc) =	sbr.rel .LBB2_1-.Ltmp0, $4  }
0x13: {  	s9 =	simm.s32 $0xC80;
	s25 =	sadd.s32 $0xC8, s23;
	[dreg:$0x4] =	wrdreg s22  }
0x14: {  	s10 =	simm.s32 $0x5;
	s26 =	sadd.s32 s5, s24;
	[dreg:$0x7] =	wrdreg s25  }
0x15: {  	s12 =	simm.s32 $0xFA0;
	s28 =	sadd.s32 s6, s11;
	[dreg:$0x8] =	wrdreg s26  }
0x16: {  	v0 =	vimm.f32 $1.000000000e+00;
	s11 =	simm.s32 $0x2;
	[dreg:$0x9] =	wrdreg s28;
	s22 =	simm.s32 $0x0  }
.LBB2_15:
0x17: {  	_ =	swait.ge [sflag:s15], $0xC800  }
0x18: {  	[sflag:s15] =	ssyncset.done $0x0  }
0x19: {  	[sflag:s15] =	ssyncadd.s32 $0xFFFF3800  }
0x1a: {  	_ =	swait.ge [sflag:s10], $0x320  }
0x1b: {  	[sflag:s10] =	ssyncset.done $0x0  }
0x1c: {  	[sflag:s10] =	ssyncadd.s32 $0xFFFFFCE0  }
0x1d: {  	_ =	swait.ge [sflag:s16], $0xC800  }
0x1e: {  	[sflag:s16] =	ssyncset.done $0x0  }
0x1f: {  	[sflag:s16] =	ssyncadd.s32 $0xFFFF3800  }
0x20: {  	_ =	swait.ge [sflag:s14], $0x320  }
0x21: {  	s22 =	rddreg [dreg:$0xc]  }
0x22: {  	s19 =	rddreg [dreg:$0xb];
	s22 =	sadd.s32 $0x1, s22  }
0x23: {  	p0 =	sne.s32 s22, s19  }
.Ltmp1:
0x24: {  	_ = 	snop;
	(pc) =	sbr.rel @!p0 .LBB2_16-.Ltmp1, $3  }
0x25: {  	_ =	sdelay $0x1  }
0x26: {  	[sflag:s14] =	ssyncset.done $0x0  }
0x27: {  	[sflag:s14] =	ssyncadd.s32 $0xFFFFFCE0  }
.LBB2_1:
0x28: {  	[dreg:$0xc] =	wrdreg s22  }
0x29: {  	s19 =	rddreg [dreg:$0x3]  }
0x2a: {  	[tilespmem:s3], [sflag:$0x7] =	stream.linear.gather [hbm4b:s19+s3], $0x320, $0x38;
	[tilespmem:$0x1A2C0] =	vst v63  }
0x2b: {  	_ =	swait.ge [sflag:s17], $0x320  }
0x2c: {  	[sflag:s17] =	ssyncset.done $0x0  }
0x2d: {  	s19 =	simm.s32 $0x0;
	[sflag:s17] =	ssyncadd.s32 $0xFFFFFCE0  }
0x2e: {  	v1 =	vld [tilespmem:s19+$0x0]  }
0x2f: {  	s22 =	simm.s32 $0x40  }
.LBB2_2:
0x30: {  	_ = 	snop  }
0x31: {  	p0 =	sne.s32 s22, $0xC40  }
.Ltmp2:
0x32: {  	_ = 	snop;
	(pc) =	sbr.rel @p0 .LBB2_2-.Ltmp2, $4  }
0x33: {  	vm0 =	veq.s32 v1, $0xFFFFFFFF  }
0x34: {  	s23 =	sshra.s32 s22, $0x2;
	v3 =	vsel vm0, $0x0, v0  }
0x35: {  	v2 =	vsel vm0, $0x0, v1;
	v1 =	vld [tilespmem:s23+$0x0];
	[tilespmem:s19+$0xC80] =	vst v3  }
0x36: {  	s22 =	sadd.s32 $0x40, s22;
	[tilespmem:s19+$0x640] =	vst v2;
	s19 =	smov.u32 s23  }
0x37: {  	_ =	sdelay $0x2  }
0x38: {  	vm0 =	veq.s32 v1, $0xFFFFFFFF  }
0x39: {  	v2 =	vsel vm0, $0x0, v0  }
0x3a: {  	v1 =	vsel vm0, $0x0, v1;
	[tilespmem:s19+$0xC80] =	vst v2  }
0x3b: {  	s25 =	simm.s32 $0x640;
	[tilespmem:s19+$0x640] =	vst v1  }
0x3c: {  	[tilespmem:s20], [sflag:$0x1] =	stream.indirect.gather [hbm4b:s2+s18], $0x40, s25, s18, $0xb8;
	[tilespmem:$0x1A2C0] =	vst v63  }
0x3d: {  	s26 =	simm.s32 $0x6C0;
	s22 =	simm.s32 $0x32C0  }
0x3e: {  	[tilespmem:s22], [sflag:$0x1] =	stream.indirect.gather [hbm4b:s2+s21], $0x40, s26, s21, $0xb8;
	[tilespmem:$0x1A2C0] =	vst v63  }
0x3f: {  	s28 =	simm.s32 $0x708;
	s29 =	simm.s32 $0x44C0  }
0x40: {  	[tilespmem:s29], [sflag:$0x1] =	stream.indirect.gather [hbm4b:s2+s18], $0x40, s28, s18, $0xb8;
	[tilespmem:$0x1A2C0] =	vst v63  }
0x41: {  	s23 =	simm.s32 $0x788;
	s24 =	simm.s32 $0x64C0  }
0x42: {  	[tilespmem:s24], [sflag:$0x1] =	stream.indirect.gather [hbm4b:s2+s21], $0x40, s23, s21, $0xb8;
	[tilespmem:$0x1A2C0] =	vst v63  }
0x43: {  	s25 =	simm.s32 $0x7D0;
	s26 =	simm.s32 $0x76C0  }
0x44: {  	[tilespmem:s26], [sflag:$0x1] =	stream.indirect.gather [hbm4b:s2+s18], $0x40, s25, s18, $0xb8;
	[tilespmem:$0x1A2C0] =	vst v63  }
0x45: {  	s28 =	simm.s32 $0x850;
	s29 =	simm.s32 $0x96C0  }
0x46: {  	[tilespmem:s29], [sflag:$0x1] =	stream.indirect.gather [hbm4b:s2+s21], $0x40, s28, s21, $0xb8;
	[tilespmem:$0x1A2C0] =	vst v63  }
0x47: {  	s23 =	simm.s32 $0x898;
	s24 =	simm.s32 $0xA8C0  }
0x48: {  	[tilespmem:s24], [sflag:$0x1] =	stream.indirect.gather [hbm4b:s2+s18], $0x40, s23, s18, $0xb8;
	[tilespmem:$0x1A2C0] =	vst v63  }
0x49: {  	s25 =	simm.s32 $0x918;
	s26 =	simm.s32 $0xC8C0  }
0x4a: {  	[tilespmem:s26], [sflag:$0x1] =	stream.indirect.gather [hbm4b:s2+s21], $0x40, s25, s21, $0xb8;
	[tilespmem:$0x1A2C0] =	vst v63  }
0x4b: {  	s28 =	simm.s32 $0x0;
	s29 =	rddreg [dreg:$0x4];
	s23 =	simm.s32 $0x320  }
0x4c: {  	[tilespmem:s23], [sflag:$0x7] =	stream.linear.gather [hbm4b:s29+s28], $0x320, $0x38;
	[tilespmem:$0x1A2C0] =	vst v63  }
0x4d: {  	_ =	swait.ge [sflag:s17], $0x320  }
0x4e: {  	[sflag:s17] =	ssyncset.done $0x0  }
0x4f: {  	s19 =	simm.s32 $0x0;
	[sflag:s17] =	ssyncadd.s32 $0xFFFFFCE0  }
0x50: {  	v1 =	vld [tilespmem:s19+$0x320]  }
0x51: {  	s22 =	simm.s32 $0x40  }
.LBB2_4:
0x52: {  	_ = 	snop  }
0x53: {  	p0 =	sne.s32 s22, $0xC40  }
.Ltmp3:
0x54: {  	_ = 	snop;
	(pc) =	sbr.rel @p0 .LBB2_4-.Ltmp3, $4  }
0x55: {  	vm0 =	veq.s32 v1, $0xFFFFFFFF  }
0x56: {  	s23 =	sshra.s32 s22, $0x2;
	v3 =	vsel vm0, $0x0, v0  }
0x57: {  	v2 =	vsel vm0, $0x0, v1;
	v1 =	vld [tilespmem:s23+$0x320];
	[tilespmem:s19+$0xFA0] =	vst v3  }
0x58: {  	s22 =	sadd.s32 $0x40, s22;
	[tilespmem:s19+$0x960] =	vst v2;
	s19 =	smov.u32 s23  }
0x59: {  	_ =	sdelay $0x2  }
0x5a: {  	vm0 =	veq.s32 v1, $0xFFFFFFFF  }
0x5b: {  	v2 =	vsel vm0, $0x0, v0  }
0x5c: {  	v1 =	vsel vm0, $0x0, v1;
	[tilespmem:s19+$0xFA0] =	vst v2  }
0x5d: {  	s28 =	simm.s32 $0x960;
	[tilespmem:s19+$0x960] =	vst v1  }
0x5e: {  	[tilespmem:s13], [sflag:$0x2] =	stream.indirect.gather [hbm4b:s2+s18], $0x40, s28, s18, $0xb8;
	[tilespmem:$0x1A2C0] =	vst v63  }
0x5f: {  	s29 =	simm.s32 $0x9E0;
	s22 =	simm.s32 $0xFAC0  }
0x60: {  	[tilespmem:s22], [sflag:$0x2] =	stream.indirect.gather [hbm4b:s2+s21], $0x40, s29, s21, $0xb8;
	[tilespmem:$0x1A2C0] =	vst v63  }
0x61: {  	s23 =	simm.s32 $0xA28;
	s24 =	simm.s32 $0x10CC0  }
0x62: {  	[tilespmem:s24], [sflag:$0x2] =	stream.indirect.gather [hbm4b:s2+s18], $0x40, s23, s18, $0xb8;
	[tilespmem:$0x1A2C0] =	vst v63  }
0x63: {  	s25 =	simm.s32 $0xAA8;
	s26 =	simm.s32 $0x12CC0  }
0x64: {  	[tilespmem:s26], [sflag:$0x2] =	stream.indirect.gather [hbm4b:s2+s21], $0x40, s25, s21, $0xb8;
	[tilespmem:$0x1A2C0] =	vst v63  }
0x65: {  	s28 =	simm.s32 $0xAF0;
	s29 =	simm.s32 $0x13EC0  }
0x66: {  	[tilespmem:s29], [sflag:$0x2] =	stream.indirect.gather [hbm4b:s2+s18], $0x40, s28, s18, $0xb8;
	[tilespmem:$0x1A2C0] =	vst v63  }
0x67: {  	s23 =	simm.s32 $0xB70;
	s24 =	simm.s32 $0x15EC0  }
0x68: {  	[tilespmem:s24], [sflag:$0x2] =	stream.indirect.gather [hbm4b:s2+s21], $0x40, s23, s21, $0xb8;
	[tilespmem:$0x1A2C0] =	vst v63  }
0x69: {  	_ = 	snop  }
0x6a: {  	[tilespmem:s31], [sflag:$0x2] =	stream.indirect.gather [hbm4b:s2+s18], $0x40, s30, s18, $0xb8;
	[tilespmem:$0x1A2C0] =	vst v63  }
0x6b: {  	_ = 	snop  }
0x6c: {  	[tilespmem:s1], [sflag:$0x2] =	stream.indirect.gather [hbm4b:s2+s21], $0x40, s0, s21, $0xb8;
	[tilespmem:$0x1A2C0] =	vst v63  }
0x6d: {  	_ =	swait.ge [sflag:s8], $0xC800  }
0x6e: {  	[sflag:s8] =	ssyncset.done $0x0  }
0x6f: {  	s25 =	simm.s32 $0x0;
	s26 =	rddreg [dreg:$0x5];
	[sflag:s8] =	ssyncadd.s32 $0xFFFF3800  }
0x70: {  	[hbm4b:s26+s25] =	stream.linear.scatter [tilespmem:s20], [sflag:$0x3], $0xC800, $0x38;
	[tilespmem:$0x1A2C0] =	vst v63  }
0x71: {  	s28 =	rddreg [dreg:$0x6]  }
0x72: {  	[hbm4b:s28+s25] =	stream.linear.scatter [tilespmem:s9], [sflag:$0x5], $0x320, $0x38;
	[tilespmem:$0x1A2C0] =	vst v63  }
0x73: {  	_ =	swait.ge [sflag:s10], $0x320  }
0x74: {  	[sflag:s10] =	ssyncset.done $0x0  }
0x75: {  	s29 =	rddreg [dreg:$0x7];
	[sflag:s10] =	ssyncadd.s32 $0xFFFFFCE0  }
0x76: {  	[tilespmem:s25], [sflag:$0x7] =	stream.linear.gather [hbm4b:s29+s25], $0x320, $0x38;
	[tilespmem:$0x1A2C0] =	vst v63  }
0x77: {  	_ =	swait.ge [sflag:s17], $0x320  }
0x78: {  	[sflag:s17] =	ssyncset.done $0x0  }
0x79: {  	s19 =	simm.s32 $0x0;
	[sflag:s17] =	ssyncadd.s32 $0xFFFFFCE0  }
0x7a: {  	v1 =	vld [tilespmem:s19+$0x0]  }
0x7b: {  	s22 =	simm.s32 $0x40  }
.LBB2_6:
0x7c: {  	_ = 	snop  }
0x7d: {  	p0 =	sne.s32 s22, $0xC40  }
.Ltmp4:
0x7e: {  	_ = 	snop;
	(pc) =	sbr.rel @p0 .LBB2_6-.Ltmp4, $4  }
0x7f: {  	vm0 =	veq.s32 v1, $0xFFFFFFFF  }
0x80: {  	s23 =	sshra.s32 s22, $0x2;
	v3 =	vsel vm0, $0x0, v0  }
0x81: {  	v2 =	vsel vm0, $0x0, v1;
	v1 =	vld [tilespmem:s23+$0x0];
	[tilespmem:s19+$0xC80] =	vst v3  }
0x82: {  	s22 =	sadd.s32 $0x40, s22;
	[tilespmem:s19+$0x640] =	vst v2;
	s19 =	smov.u32 s23  }
0x83: {  	_ =	sdelay $0x2  }
0x84: {  	vm0 =	veq.s32 v1, $0xFFFFFFFF  }
0x85: {  	v2 =	vsel vm0, $0x0, v0  }
0x86: {  	v1 =	vsel vm0, $0x0, v1;
	[tilespmem:s19+$0xC80] =	vst v2  }
0x87: {  	[tilespmem:s19+$0x640] =	vst v1  }
0x88: {  	_ =	swait.ge [sflag:s15], $0xC800  }
0x89: {  	[sflag:s15] =	ssyncset.done $0x0  }
0x8a: {  	s25 =	simm.s32 $0x640;
	[sflag:s15] =	ssyncadd.s32 $0xFFFF3800  }
0x8b: {  	[tilespmem:s20], [sflag:$0x1] =	stream.indirect.gather [hbm4b:s2+s18], $0x40, s25, s18, $0xb8;
	[tilespmem:$0x1A2C0] =	vst v63  }
0x8c: {  	s26 =	simm.s32 $0x6C0;
	s22 =	simm.s32 $0x32C0  }
0x8d: {  	[tilespmem:s22], [sflag:$0x1] =	stream.indirect.gather [hbm4b:s2+s21], $0x40, s26, s21, $0xb8;
	[tilespmem:$0x1A2C0] =	vst v63  }
0x8e: {  	s28 =	simm.s32 $0x708;
	s29 =	simm.s32 $0x44C0  }
0x8f: {  	[tilespmem:s29], [sflag:$0x1] =	stream.indirect.gather [hbm4b:s2+s18], $0x40, s28, s18, $0xb8;
	[tilespmem:$0x1A2C0] =	vst v63  }
0x90: {  	s23 =	simm.s32 $0x788;
	s24 =	simm.s32 $0x64C0  }
0x91: {  	[tilespmem:s24], [sflag:$0x1] =	stream.indirect.gather [hbm4b:s2+s21], $0x40, s23, s21, $0xb8;
	[tilespmem:$0x1A2C0] =	vst v63  }
0x92: {  	s25 =	simm.s32 $0x7D0;
	s26 =	simm.s32 $0x76C0  }
0x93: {  	[tilespmem:s26], [sflag:$0x1] =	stream.indirect.gather [hbm4b:s2+s18], $0x40, s25, s18, $0xb8;
	[tilespmem:$0x1A2C0] =	vst v63  }
0x94: {  	s28 =	simm.s32 $0x850;
	s29 =	simm.s32 $0x96C0  }
0x95: {  	[tilespmem:s29], [sflag:$0x1] =	stream.indirect.gather [hbm4b:s2+s21], $0x40, s28, s21, $0xb8;
	[tilespmem:$0x1A2C0] =	vst v63  }
0x96: {  	s23 =	simm.s32 $0x898;
	s24 =	simm.s32 $0xA8C0  }
0x97: {  	[tilespmem:s24], [sflag:$0x1] =	stream.indirect.gather [hbm4b:s2+s18], $0x40, s23, s18, $0xb8;
	[tilespmem:$0x1A2C0] =	vst v63  }
0x98: {  	s25 =	simm.s32 $0x918;
	s26 =	simm.s32 $0xC8C0  }
0x99: {  	[tilespmem:s26], [sflag:$0x1] =	stream.indirect.gather [hbm4b:s2+s21], $0x40, s25, s21, $0xb8;
	[tilespmem:$0x1A2C0] =	vst v63  }
0x9a: {  	_ =	swait.ge [sflag:s11], $0xC800  }
.Ltmp5:
0x9b: {  	[sflag:s11] =	ssyncset.done $0x0;
	(pc) =	sbr.rel .LBB2_8-.Ltmp5, $4  }
0x9c: {  	s28 =	rddreg [dreg:$0x8];
	[sflag:s11] =	ssyncadd.s32 $0xFFFF3800  }
0x9d: {  	[hbm4b:s28+s3] =	stream.linear.scatter [tilespmem:s13], [sflag:$0x4], $0xC800, $0x38;
	[tilespmem:$0x1A2C0] =	vst v63  }
0x9e: {  	s19 =	simm.s32 $0x1;
	s29 =	rddreg [dreg:$0x9]  }
0x9f: {  	[hbm4b:s29+s3] =	stream.linear.scatter [tilespmem:s12], [sflag:$0x6], $0x320, $0x38;
	[tilespmem:$0x1A2C0] =	vst v63  }
.LBB2_14:
0xa0: {  	s19 =	sadd.s32 $0x1, s19  }
0xa1: {  	_ =	swait.ge [sflag:s11], $0xC800;
	s23 =	smul.u32 $0x640, s23;
	p0 =	sne.s32 s19, $0x10  }
.Ltmp6:
0xa2: {  	[sflag:s11] =	ssyncset.done $0x0;
	(pc) =	sbr.rel @!p0 .LBB2_15-.Ltmp6, $4  }
0xa3: {  	[sflag:s11] =	ssyncadd.s32 $0xFFFF3800;
	s23 =	sadd.s32 s5, s23  }
0xa4: {  	[hbm4b:s23+s3] =	stream.linear.scatter [tilespmem:s13], [sflag:$0x4], $0xC800, $0x38;
	[tilespmem:$0x1A2C0] =	vst v63  }
0xa5: {  	s22 =	sadd.s32 s6, s22  }
0xa6: {  	[hbm4b:s22+s3] =	stream.linear.scatter [tilespmem:s12], [sflag:$0x6], $0x320, $0x38;
	[tilespmem:$0x1A2C0] =	vst v63  }
.LBB2_8:
0xa7: {  	s24 =	sshll.u32 s19, $0x3  }
0xa8: {  	s25 =	sor.u32 s24, s7  }
0xa9: {  	s23 =	sor.u32 $0x4, s25  }
0xaa: {  	_ =	swait.ge [sflag:s14], $0x320;
	s22 =	smul.u32 $0x19, s23  }
0xab: {  	s28 =	simm.s32 $0x0;
	[sflag:s14] =	ssyncset.done $0x0  }
0xac: {  	s29 =	simm.s32 $0x320;
	[sflag:s14] =	ssyncadd.s32 $0xFFFFFCE0;
	s26 =	sadd.s32 s4, s22  }
0xad: {  	[tilespmem:s29], [sflag:$0x7] =	stream.linear.gather [hbm4b:s26+s28], $0x320, $0x38;
	[tilespmem:$0x1A2C0] =	vst v63  }
0xae: {  	_ =	swait.ge [sflag:s17], $0x320  }
0xaf: {  	[sflag:s17] =	ssyncset.done $0x0  }
0xb0: {  	s26 =	simm.s32 $0x0;
	[sflag:s17] =	ssyncadd.s32 $0xFFFFFCE0  }
0xb1: {  	v1 =	vld [tilespmem:s26+$0x320]  }
0xb2: {  	s28 =	simm.s32 $0x40  }
.LBB2_9:
0xb3: {  	_ = 	snop  }
0xb4: {  	p0 =	sne.s32 s28, $0xC40  }
.Ltmp7:
0xb5: {  	_ = 	snop;
	(pc) =	sbr.rel @p0 .LBB2_9-.Ltmp7, $4  }
0xb6: {  	vm0 =	veq.s32 v1, $0xFFFFFFFF  }
0xb7: {  	s29 =	sshra.s32 s28, $0x2;
	v3 =	vsel vm0, $0x0, v0  }
0xb8: {  	v2 =	vsel vm0, $0x0, v1;
	v1 =	vld [tilespmem:s29+$0x320];
	[tilespmem:s26+$0xFA0] =	vst v3  }
0xb9: {  	s28 =	sadd.s32 $0x40, s28;
	[tilespmem:s26+$0x960] =	vst v2;
	s26 =	smov.u32 s29  }
0xba: {  	_ =	sdelay $0x2  }
0xbb: {  	vm0 =	veq.s32 v1, $0xFFFFFFFF  }
0xbc: {  	v2 =	vsel vm0, $0x0, v0  }
0xbd: {  	v1 =	vsel vm0, $0x0, v1;
	[tilespmem:s26+$0xFA0] =	vst v2  }
0xbe: {  	[tilespmem:s26+$0x960] =	vst v1  }
0xbf: {  	_ =	swait.ge [sflag:s16], $0xC800  }
0xc0: {  	[sflag:s16] =	ssyncset.done $0x0  }
0xc1: {  	s28 =	simm.s32 $0x960;
	[sflag:s16] =	ssyncadd.s32 $0xFFFF3800  }
0xc2: {  	[tilespmem:s13], [sflag:$0x2] =	stream.indirect.gather [hbm4b:s2+s18], $0x40, s28, s18, $0xb8;
	[tilespmem:$0x1A2C0] =	vst v63  }
0xc3: {  	s29 =	simm.s32 $0x9E0;
	s28 =	simm.s32 $0xFAC0  }
0xc4: {  	[tilespmem:s28], [sflag:$0x2] =	stream.indirect.gather [hbm4b:s2+s21], $0x40, s29, s21, $0xb8;
	[tilespmem:$0x1A2C0] =	vst v63  }
0xc5: {  	s26 =	simm.s32 $0xA28;
	s29 =	simm.s32 $0x10CC0  }
0xc6: {  	[tilespmem:s29], [sflag:$0x2] =	stream.indirect.gather [hbm4b:s2+s18], $0x40, s26, s18, $0xb8;
	[tilespmem:$0x1A2C0] =	vst v63  }
0xc7: {  	s26 =	simm.s32 $0xAA8;
	s29 =	simm.s32 $0x12CC0  }
0xc8: {  	[tilespmem:s29], [sflag:$0x2] =	stream.indirect.gather [hbm4b:s2+s21], $0x40, s26, s21, $0xb8;
	[tilespmem:$0x1A2C0] =	vst v63  }
0xc9: {  	s26 =	simm.s32 $0xAF0;
	s29 =	simm.s32 $0x13EC0  }
0xca: {  	[tilespmem:s29], [sflag:$0x2] =	stream.indirect.gather [hbm4b:s2+s18], $0x40, s26, s18, $0xb8;
	[tilespmem:$0x1A2C0] =	vst v63  }
0xcb: {  	s26 =	simm.s32 $0xB70;
	s29 =	simm.s32 $0x15EC0  }
0xcc: {  	[tilespmem:s29], [sflag:$0x2] =	stream.indirect.gather [hbm4b:s2+s21], $0x40, s26, s21, $0xb8;
	[tilespmem:$0x1A2C0] =	vst v63  }
0xcd: {  	_ = 	snop  }
0xce: {  	[tilespmem:s31], [sflag:$0x2] =	stream.indirect.gather [hbm4b:s2+s18], $0x40, s30, s18, $0xb8;
	[tilespmem:$0x1A2C0] =	vst v63  }
0xcf: {  	_ = 	snop  }
0xd0: {  	[tilespmem:s1], [sflag:$0x2] =	stream.indirect.gather [hbm4b:s2+s21], $0x40, s0, s21, $0xb8;
	[tilespmem:$0x1A2C0] =	vst v63  }
0xd1: {  	p0 =	seq.s32 s19, $0xF;
	s28 =	smul.u32 $0x640, s25;
	_ =	swait.ge [sflag:s8], $0xC800  }
.Ltmp8:
0xd2: {  	[sflag:s8] =	ssyncset.done $0x0;
	(pc) =	sbr.rel @p0 .LBB2_14-.Ltmp8, $4  }
0xd3: {  	s26 =	sadd.s32 s5, s28;
	s29 =	smul.u32 $0x19, s25;
	[sflag:s8] =	ssyncadd.s32 $0xFFFF3800  }
0xd4: {  	[hbm4b:s26+s3] =	stream.linear.scatter [tilespmem:s20], [sflag:$0x3], $0xC800, $0x38;
	[tilespmem:$0x1A2C0] =	vst v63  }
0xd5: {  	s25 =	sadd.s32 s6, s29  }
0xd6: {  	[hbm4b:s25+s3] =	stream.linear.scatter [tilespmem:s9], [sflag:$0x5], $0x320, $0x38;
	[tilespmem:$0x1A2C0] =	vst v63  }
0xd7: {  	s25 =	rddreg [dreg:$0xa]  }
0xd8: {  	s24 =	sadd.s32 s24, s25  }
0xd9: {  	_ =	swait.ge [sflag:s10], $0x320;
	s24 =	smul.u32 $0x19, s24  }
0xda: {  	[sflag:s10] =	ssyncset.done $0x0  }
0xdb: {  	s29 =	simm.s32 $0x0;
	[sflag:s10] =	ssyncadd.s32 $0xFFFFFCE0;
	s24 =	sadd.s32 s4, s24  }
0xdc: {  	[tilespmem:s29], [sflag:$0x7] =	stream.linear.gather [hbm4b:s24+s29], $0x320, $0x38;
	[tilespmem:$0x1A2C0] =	vst v63  }
0xdd: {  	_ =	swait.ge [sflag:s17], $0x320  }
0xde: {  	[sflag:s17] =	ssyncset.done $0x0  }
0xdf: {  	s24 =	simm.s32 $0x0;
	[sflag:s17] =	ssyncadd.s32 $0xFFFFFCE0  }
0xe0: {  	v1 =	vld [tilespmem:s24+$0x0]  }
0xe1: {  	s25 =	simm.s32 $0x40  }
.LBB2_12:
0xe2: {  	_ = 	snop  }
0xe3: {  	p0 =	sne.s32 s25, $0xC40  }
.Ltmp9:
0xe4: {  	_ = 	snop;
	(pc) =	sbr.rel @p0 .LBB2_12-.Ltmp9, $4  }
0xe5: {  	vm0 =	veq.s32 v1, $0xFFFFFFFF  }
0xe6: {  	s26 =	sshra.s32 s25, $0x2;
	v3 =	vsel vm0, $0x0, v0  }
0xe7: {  	v2 =	vsel vm0, $0x0, v1;
	v1 =	vld [tilespmem:s26+$0x0];
	[tilespmem:s24+$0xC80] =	vst v3  }
0xe8: {  	s25 =	sadd.s32 $0x40, s25;
	[tilespmem:s24+$0x640] =	vst v2;
	s24 =	smov.u32 s26  }
0xe9: {  	_ =	sdelay $0x2  }
0xea: {  	vm0 =	veq.s32 v1, $0xFFFFFFFF  }
0xeb: {  	v2 =	vsel vm0, $0x0, v0  }
0xec: {  	v1 =	vsel vm0, $0x0, v1;
	[tilespmem:s24+$0xC80] =	vst v2  }
0xed: {  	[tilespmem:s24+$0x640] =	vst v1  }
0xee: {  	_ =	swait.ge [sflag:s15], $0xC800  }
0xef: {  	[sflag:s15] =	ssyncset.done $0x0  }
0xf0: {  	s28 =	simm.s32 $0x640;
	[sflag:s15] =	ssyncadd.s32 $0xFFFF3800  }
0xf1: {  	[tilespmem:s20], [sflag:$0x1] =	stream.indirect.gather [hbm4b:s2+s18], $0x40, s28, s18, $0xb8;
	[tilespmem:$0x1A2C0] =	vst v63  }
0xf2: {  	s29 =	simm.s32 $0x6C0;
	s25 =	simm.s32 $0x32C0  }
0xf3: {  	[tilespmem:s25], [sflag:$0x1] =	stream.indirect.gather [hbm4b:s2+s21], $0x40, s29, s21, $0xb8;
	[tilespmem:$0x1A2C0] =	vst v63  }
0xf4: {  	s26 =	simm.s32 $0x44C0;
	s25 =	simm.s32 $0x708  }
0xf5: {  	[tilespmem:s26], [sflag:$0x1] =	stream.indirect.gather [hbm4b:s2+s18], $0x40, s25, s18, $0xb8;
	[tilespmem:$0x1A2C0] =	vst v63  }
0xf6: {  	s28 =	simm.s32 $0x788;
	s29 =	simm.s32 $0x64C0  }
0xf7: {  	[tilespmem:s29], [sflag:$0x1] =	stream.indirect.gather [hbm4b:s2+s21], $0x40, s28, s21, $0xb8;
	[tilespmem:$0x1A2C0] =	vst v63  }
0xf8: {  	s25 =	simm.s32 $0x7D0;
	s26 =	simm.s32 $0x76C0  }
0xf9: {  	[tilespmem:s26], [sflag:$0x1] =	stream.indirect.gather [hbm4b:s2+s18], $0x40, s25, s18, $0xb8;
	[tilespmem:$0x1A2C0] =	vst v63  }
0xfa: {  	s28 =	simm.s32 $0x850;
	s29 =	simm.s32 $0x96C0  }
0xfb: {  	[tilespmem:s29], [sflag:$0x1] =	stream.indirect.gather [hbm4b:s2+s21], $0x40, s28, s21, $0xb8;
	[tilespmem:$0x1A2C0] =	vst v63  }
.Ltmp10:
0xfc: {  	_ = 	snop;
	(pc) =	sbr.rel .LBB2_14-.Ltmp10, $4  }
0xfd: {  	s25 =	simm.s32 $0x898;
	s26 =	simm.s32 $0xA8C0  }
0xfe: {  	[tilespmem:s26], [sflag:$0x1] =	stream.indirect.gather [hbm4b:s2+s18], $0x40, s25, s18, $0xb8;
	[tilespmem:$0x1A2C0] =	vst v63  }
0xff: {  	s28 =	simm.s32 $0x918;
	s29 =	simm.s32 $0xC8C0  }
0x100: {  	[tilespmem:s29], [sflag:$0x1] =	stream.indirect.gather [hbm4b:s2+s21], $0x40, s28, s21, $0xb8;
	[tilespmem:$0x1A2C0] =	vst v63  }
.LBB2_16:
0x101: {  	_ =	sfence.sel $0x180000  }
0x102: {  	[bflag:$0x0] =	sbarrier.arrive $0xFFFF  }
0x103: {  	_ =	strace $0x90000047  }
0x104: {  	s0 =	stileid.u32;
	[bflag:$0x2] =	sbarrier.arrive $0xFFFF  }
0x105: {  	p0 =	sne.s32 s0, $0x0;
	s0 =	rddreg [dreg:$0x2]  }
0x106: {  	s0 =	sadd.s32 @!p0 $0x100000, s0  }
0x107: {  	[sflag:s0] =	ssyncadd.tile.s32 @!p0 $0x1;
	_ =	shalt  }
.Lfunc_end2:
_tile_overlayer_lowered:
.L_overlay_start_2:
0x108: {  	(tag) =	ssettag $0x2  }
0x109: {  	s0 =	rddreg [dreg:$0x0];
	s2 =	stileid.u32  }
0x10a: {  	s1 =	rddreg [dreg:$0x1];
	p0 =	sne.s32 s2, $0x0  }
0x10b: {  	s3 =	rddreg [dreg:$0x2];
	[bflag:$0x3] =	sbarrier.arrive $0xFFFF;
	s2 =	simm.s32 @!p0 $0x1C07  }
0x10c: {  	[timem:s3], [sflag:s2] =	dma.local @!p0 [hbm:s0], s1  }
0x10d: {  	s0 =	simm.s32 @!p0 $0x7  }
0x10e: {  	_ =	swait.ge @!p0 [sflag:s0], s1  }
0x10f: {  	s1 =	ssub.s32 @!p0 $0x0, s1;
	[sflag:s0] =	ssyncset.done @!p0 $0x0  }
0x110: {  	[sflag:s0] =	ssyncadd.s32 @!p0 s1  }
0x111: {  	[bflag:$0x3] =	sbarrier.arrive $0xFFFF  }
0x112: {  	_ =	shalt  }

// kernel: sparse-core-data-format-call.cloned.1.call-start
scs
called_computation_lowered:
.L_overlay_start_0:
0x0: {  	s2 =	sld [smem:$0x3FD9]  }
0x1: {  	s3 =	sld [smem:$0x3FFE];
	_ =	sdelay $0x1  }
0x2: {  	s1 =	srdreg.scid  }
0x3: {  	s0 =	sand.u32 $0x1, s1  }
0x4: {  	s18 =	sshll.u32 s0, $0xA;
	s2 =	sadd.s32 s3, s2  }
0x5: {  	s2 =	sadd.s32 s2, s18  }
0x6: {  	[smem:$0x3FC6] =	sst s2  }
0x7: {  	_ = 	snop  }
0x8: {  	s2 =	sld [smem:$0x3FD0];
	(tm) =	ssettm $0x1  }
0x9: {  	s19 =	sld [smem:$0x3FFB];
	_ =	sdelay $0x3  }
0xa: {  	_ =	strace s19  }
0xb: {  	s3 =	sld [smem:$0x3FFC];
	_ =	sdelay $0x3  }
0xc: {  	_ =	strace s3  }
0xd: {  	s3 =	sld [smem:$0x3FFD];
	_ =	sdelay $0x3  }
0xe: {  	_ =	strace s3  }
0xf: {  	_ =	strace $0x8FFFFFFF  }
0x10: {  	s20 =	sld [smem:$0x3FDB];
	_ =	sdelay $0x1  }
0x11: {  	s4 =	simm.s32 $_scs_section_size  }
0x12: {  	s5 =	simm.s32 $_size__tile_overlayer_lowered;
	s6 =	simm.s32 $_tile_overlayer_lowered  }
0x13: {  	s23 =	simm.s32 $0x1BFF;
	s22 =	sshll.u32 s6, $0x1;
	s3 =	sadd.s32 s4, s20  }
0x14: {  	s7 =	simm.s32 $0x0;
	s21 =	sshll.u32 s5, $0x1;
	s5 =	sadd.s32 s22, s3  }
0x15: {  	[timem:s7], [sflag:s23] =	dma.local [hbm:s5], s21  }
0x16: {  	_ =	swait.ge [sflag:s23], s21  }
0x17: {  	s4 =	ssub.s32 $0x0, s21;
	[sflag:s23] =	ssyncset.done $0x0  }
0x18: {  	[sflag:s23] =	ssyncadd.s32 s4;
	_ =	sdelay $0x1  }
0x19: {  	s24 =	simm.s32 $0x1B8B  }
0x1a: {  	_ =	swait.ge [sflag:s24], $0x1  }
0x1b: {  	[sflag:s24] =	ssyncset.done $0x0  }
0x1c: {  	s26 =	simm.s32 $0x1B8E;
	s25 =	sld [smem:$0x3FFE];
	[sflag:s24] =	ssyncadd.s32 $0xFFFFFFFF  }
0x1d: {  	s27 =	simm.s32 $execute0_lowered;
	[smem:$0x3FD2] =	sst s26  }
0x1e: {  	s5 =	sshll.u32 s27, $0x1;
	_ =	strace $0x80000049;
	[dreg:$0x1] =	wrdreg $0xFFFFFFFF  }
0x1f: {  	s28 =	simm.s32 $_size_execute0_lowered;
	s3 =	sadd.s32 s3, s5;
	[dreg:$0x0] =	wrdreg $0x0  }
0x20: {  	s5 =	sshll.u32 s28, $0x1;
	[dreg:$0x2] =	wrdreg s3  }
0x21: {  	[dreg:$0x3] =	wrdreg s5  }
0x22: {  	[dreg:$0x4] =	wrdreg $0xC0  }
0x23: {  	_ =	task [dreg:s7], $0x5FFFF  }
0x24: {  	[dreg:$0x1] =	wrdreg $0xFFFFFFFF  }
0x25: {  	[dreg:$0x0] =	wrdreg $0x60  }
0x26: {  	[dreg:$0x2] =	wrdreg s2  }
0x27: {  	[dreg:$0x3] =	wrdreg s25  }
0x28: {  	[dreg:$0x4] =	wrdreg $0x9  }
0x29: {  	_ =	task.clear_ibuf [dreg:s7], $0x5FFFF;
	_ =	strace $0x90000049  }
0x2a: {  	s29 =	simm.s32 $0x9;
	_ =	strace $0x8000004B  }
0x2b: {  	_ =	swait.ge [sflag:s29], $0x1  }
0x2c: {  	[sflag:s29] =	ssyncadd.s32 $0xFFFFFFFF  }
0x2d: {  	_ =	strace $0x9000004B  }
0x2e: {  	_ =	sfence  }
0x2f: {  	s30 =	sld [smem:$0x0];
	_ =	sdelay $0x2  }
0x30: {  	s31 =	sshll.u32 s1, $0xD;
	s1 =	sshrl.u32 s1, $0x2  }
0x31: {  	s3 =	sand.u32 $0x4000, s31;
	s1 =	sadd.s32 s1, s30  }
0x32: {  	s0 =	sor.u32 s3, s0;
	s1 =	sshll.u32 s1, $0x11  }
0x33: {  	s0 =	sor.u32 s1, s0  }
0x34: {  	s0 =	sadd.s32 $0x8F2B, s0  }
0x35: {  	[sflag:s0] =	ssyncadd.remote.s32 $0x1  }
0x36: {  	_ =	sfence.sel $0xFFFF  }
0x37: {  	[dreg:$0x0] =	wrdreg $0xFFFFFFFF;
	(pc) =	sbr.abs _section_cstart, $3  }
0x38: {  	[dreg:$0x1] =	wrdreg $0xFFFFFFFF  }
0x39: {  	_ =	task.clear_ibuf [dreg:s7], $0x2FFFF;
	_ =	strace $0x9FFFFFFF  }
0x3a: {  	(tm) =	ssettm $0x7FFFFFFF  }
0x3b: {  	_ =	shalt  }
tec
execute0_lowered:
.L_overlay_start_1:
0x0: {  	(tag) =	ssettag $0x1  }
0x1: {  	s0 =	srdreg.scid  }
0x2: {  	s1 =	sshll.u32 s0, $0x4  }
0x3: {  	s0 =	stileid.u32;
	s1 =	sand.u32 $0x10, s1  }
0x4: {  	s3 =	rddreg [dreg:$0x0];
	s1 =	sor.u32 s0, s1  }
0x5: {  	s6 =	rddreg [dreg:$0x1];
	s2 =	sshll.u32 s1, $0x7  }
0x6: {  	s7 =	simm.s32 $0x2;
	s12 =	simm.s32 $0x0;
	s1 =	ssub.s32 $0x1000, s2  }
0x7: {  	s8 =	simm.s32 $0x8000;
	s13 =	simm.s32 $0x0;
	s4 =	sand.u32 $0xF80, s1  }
0x8: {  	s9 =	simm.s32 $0x0;
	p0 =	sne.s32 s4, $0x0;
	s4 =	simm.s32 $0x1  }
.Ltmp0:
0x9: {  	s5 =	sshrl.u32 s1, $0xC;
	s4 =	simm.s32 @!p0 $0x0;
	(pc) =	sbr.rel .LBB1_1-.Ltmp0, $4  }
0xa: {  	s11 =	simm.s32 $0x0;
	s1 =	rddreg [dreg:$0x2];
	s5 =	sadd.s32 s4, s5  }
0xb: {  	_ =	strace $0x8000004A;
	s4 =	simm.s32 $0x1;
	s5 =	smul.u32 $0xC8, s5  }
0xc: {  	s6 =	sadd.s32 $0x1000, s6;
	s10 =	smov.u32 s2;
	[sflag:s4] =	ssyncpa.u1 $0x0  }
0xd: {  	p0 =	por $0x0, $0x0;
	[sflag:s7] =	ssyncpa.u1 $0x0;
	s7 =	sor.u32 $0x1, s5  }
.LBB1_4:
0xe: {  	s16 =	sshll.u32 s13, $0x3;
	s17 =	sand.u32 $0x78, s13  }
0xf: {  	s30 =	sand.u32 $0x7E00, s13;
	s12 =	sshll.u32 s12, $0xF;
	s16 =	sand.u32 $0xC00, s16  }
0x10: {  	[tilespmem:s15+$0x810 ss:$0x81] =	vst.msk $0xffff, v2;
	s31 =	sand.u32 $0x7, s13;
	s16 =	sor.u32 s17, s16;
	s17 =	sadd.s32 s6, s30  }
0x11: {  	[tilespmem:s15+$0x1020 ss:$0x81] =	vst.msk $0xffff, v0;
	s13 =	sshll.u32 s31, $0x12;
	s12 =	sadd.s32 s12, s17;
	s16 =	sshrl.u32 s16, $0x3  }
0x12: {  	[tilespmem:s15+$0x0 ss:$0x81] =	vst.msk $0xffff, v1;
	s13 =	sor.u32 $0x400, s13;
	s12 =	sadd.s32 s16, s12  }
0x13: {  	[hbm4b:s12+s13] =	stream.strided.scatter [tilespmem:s14], [sflag:$0x2], $0x2000, s8, s13, $0x20;
	[tilespmem:$0x8080] =	vst v63  }
.LBB1_5:
0x14: {  	s14 =	sadd.s32 $0x1, s9  }
0x15: {  	s12 =	sadd.s32 $0x1000, s10;
	s16 =	smov.u32 s10;
	p2 =	sgt.s32 s14, $0xC7  }
0x16: {  	s16 =	smov.u32 @p2 s12  }
0x17: {  	s14 =	simm.s32 @p2 $0x0;
	p2 =	sgt.s32 s16, $0xFFF  }
0x18: {  	s16 =	smov.u32 @p2 s2;
	p2 =	sne.s32 s11, s7  }
.Ltmp1:
0x19: {  	p1 =	slt.u32 s11, $0x2;
	(pc) =	sbr.rel @!p2 .LBB1_6-.Ltmp1, $4  }
0x1a: {  	s15 =	simm.s32 @!p1 $0x2  }
0x1b: {  	s13 =	smov.u32 s10;
	p0 =	por !p0, !p0;
	_ =	swait.ge @!p1 [sflag:s15], $0x2000  }
0x1c: {  	s12 =	smov.u32 s9;
	[sflag:s15] =	ssyncset.done @!p1 $0x0;
	s9 =	smov.u32 s14  }
0x1d: {  	s11 =	sadd.s32 $0x1, s11;
	[sflag:s15] =	ssyncadd.s32 @!p1 $0xFFFFE000;
	s10 =	smov.u32 s16  }
.LBB1_1:
0x1e: {  	p1 =	sge.u32 s11, s5  }
0x1f: {  	s14 =	sand.u32 @!p1 $0x1FFFFFF, s9  }
0x20: {  	s15 =	smulhi.u32 @!p1 $0x147AE15, s14;
	_ =	sdelay $0x1  }
0x21: {  	s15 =	smul.u32 @!p1 $0xC8, s15  }
0x22: {  	s16 =	sxor.u32 @!p1 $0xFFFFFFFF, s11;
	s17 =	smul.u32 @!p1 $0xC80, s10  }
0x23: {  	s31 =	sadd.s32 $0xFFFFFFFF, s11;
	s16 =	sshll.u32 @!p1 s16, $0xD;
	s14 =	ssub.s32 @!p1 s14, s15  }
0x24: {  	s15 =	sand.u32 @!p1 $0x2000, s16;
	s16 =	sadd.s32 @!p1 s3, s17;
	s14 =	sshll.u32 @!p1 s14, $0x4  }
0x25: {  	s17 =	simm.s32 @!p1 $0x6400;
	s14 =	sadd.s32 @!p1 s14, s16;
	s16 =	simm.s32 @!p1 $0x40  }
0x26: {  	[tilespmem:s15], [sflag:$0x1] =	stream.strided.gather @!p1 [hbm4b:s14+s16], $0x2000, s17, s16, $0x38;
	[tilespmem:$0x8080] =	vst v63  }
0x27: {  	p1 =	sge.u32 s31, s5  }
.Ltmp2:
0x28: {  	_ = 	snop;
	(pc) =	sbr.rel @p1 .LBB1_5-.Ltmp2, $1  }
0x29: {  	_ =	sdelay $0x3  }
0x2a: {  	s14 =	simm.s32 $0x1  }
0x2b: {  	_ =	swait.ge [sflag:s4], $0x2000;
	s14 =	simm.s32 @!p0 $0x0  }
0x2c: {  	[sflag:s4] =	ssyncset.done $0x0;
	s15 =	sshll.u32 s14, $0xD  }
0x2d: {  	[sflag:s4] =	ssyncadd.s32 $0xFFFFE000;
	s18 =	sor.u32 $0x20, s15  }
0x2e: {  	s14 =	smul.u32 $0x8100, s14;
	v3 =	vld [tilespmem:s18+$0x10]  }
0x2f: {  	s30 =	sand.u32 $0x1, s11;
	v2 =	vld [tilespmem:s18+$0xFFFFFFF0]  }
0x30: {  	s15 =	smul.u32 $0x8100, s30;
	s14 =	sshrl.u32 s14, $0x2;
	v0 =	vld [tilespmem:s18+$0x0]  }
0x31: {  	v1 =	vld [tilespmem:s18+$0xFFFFFFE0];
	s16 =	sor.u32 $0x4000, s14  }
0x32: {  	s31 =	sshrl.u32 s15, $0x2;
	s15 =	sadd.s32 $0x0, s16  }
0x33: {  	s17 =	simm.s32 $0x4;
	s18 =	sadd.s32 $0x40, s18;
	s14 =	sor.u32 $0x4000, s31;
	[tilespmem:s15+$0x1830 ss:$0x81] =	vst.msk $0xffff, v3  }
.LBB1_3:
0x34: {  	v3 =	vld [tilespmem:s18+$0x10];
	p1 =	sne.s32 s17, $0x1FC;
	[tilespmem:s15+$0x810 ss:$0x81] =	vst.msk $0xffff, v2;
	s19 =	smov.u32 s17;
	s17 =	sadd.s32 $0x4, s17  }
.Ltmp3:
0x35: {  	v2 =	vld [tilespmem:s18+$0xFFFFFFF0];
	[tilespmem:s15+$0x1020 ss:$0x81] =	vst.msk $0xffff, v0;
	(pc) =	sbr.rel @p1 .LBB1_3-.Ltmp3, $4  }
0x36: {  	v0 =	vld [tilespmem:s18+$0x0];
	[tilespmem:s15+$0x0 ss:$0x81] =	vst.msk $0xffff, v1  }
0x37: {  	s15 =	sshra.s32 s19, $0x2;
	v1 =	vld [tilespmem:s18+$0xFFFFFFE0]  }
0x38: {  	s15 =	sadd.s32 s15, s16  }
0x39: {  	s18 =	sadd.s32 $0x40, s18;
	[tilespmem:s15+$0x1830 ss:$0x81] =	vst.msk $0xffff, v3  }
.Ltmp4:
0x3a: {  	_ = 	snop;
	(pc) =	sbr.rel .LBB1_4-.Ltmp4, $1  }
0x3b: {  	_ =	sdelay $0x3  }
.LBB1_6:
0x3c: {  	_ =	sfence.sel $0x180000  }
0x3d: {  	s2 =	simm.s32 $0x1;
	[bflag:$0x0] =	sbarrier.arrive $0xFFFF  }
0x3e: {  	s31 =	simm.s32 $0x2;
	[sflag:s2] =	ssyncpa.u1 $0x1  }
0x3f: {  	[sflag:s31] =	ssyncpa.u1 $0x1  }
0x40: {  	p0 =	sne.s32 s0, $0x0;
	_ =	strace $0x9000004A  }
0x41: {  	s0 =	sadd.s32 @!p0 $0x100000, s1;
	[bflag:$0x2] =	sbarrier.arrive $0xFFFF  }
0x42: {  	[sflag:s0] =	ssyncadd.tile.s32 @!p0 $0x1;
	_ =	shalt  }
.Lfunc_end1:
_tile_overlayer_lowered:
.L_overlay_start_2:
0x43: {  	(tag) =	ssettag $0x2  }
0x44: {  	s0 =	rddreg [dreg:$0x0];
	s2 =	stileid.u32  }
0x45: {  	s1 =	rddreg [dreg:$0x1];
	p0 =	sne.s32 s2, $0x0  }
0x46: {  	s3 =	rddreg [dreg:$0x2];
	[bflag:$0x3] =	sbarrier.arrive $0xFFFF;
	s2 =	simm.s32 @!p0 $0x1C01  }
0x47: {  	[timem:s3], [sflag:s2] =	dma.local @!p0 [hbm:s0], s1  }
0x48: {  	s0 =	simm.s32 @!p0 $0x1  }
0x49: {  	_ =	swait.ge @!p0 [sflag:s0], s1  }
0x4a: {  	s1 =	ssub.s32 @!p0 $0x0, s1;
	[sflag:s0] =	ssyncset.done @!p0 $0x0  }
0x4b: {  	[sflag:s0] =	ssyncadd.s32 @!p0 s1  }
0x4c: {  	[bflag:$0x3] =	sbarrier.arrive $0xFFFF  }
0x4d: {  	_ =	shalt  }

</sc_bundles>
